<compile_context>
chip_gen: v7x
topology: tpu7x:2x2x1
jax: 0.10.2.dev20260603
libtpu: 0.0.44.dev20260713+nightly
codegen_flags: <defaults>
</compile_context>

<pallas_src>
import functools

import jax
import jax.numpy as jnp
from jax import lax
from jax.experimental import pallas as pl
from jax.experimental.pallas import tpu as pltpu
from jax.experimental.pallas import tpu_sc as plsc

_C = 96
_H = 384
_W = 384
_NPIX = _H * _W
_NQ = 64
_K = 5
_BH = 48
_BP = _BH * _W
_LW = 1024
_NC = 2
_NS = 16


def _sc_gather_body(f1rows_hbm, rowidx_hbm, colv_hbm, out_hbm,
                    idx0_v, idx1_v, col0_v, col1_v,
                    rows0_v, rows1_v, out0_v, out1_v, sem):
    wid = lax.axis_index("s") * _NC + lax.axis_index("c")
    q0 = wid * 2
    q1 = q0 + 1
    pltpu.sync_copy(rowidx_hbm.at[q0], idx0_v)
    pltpu.sync_copy(rowidx_hbm.at[q1], idx1_v)
    pltpu.sync_copy(colv_hbm.at[q0], col0_v)
    pltpu.sync_copy(colv_hbm.at[q1], col1_v)
    cp0 = pltpu.async_copy(f1rows_hbm.at[idx0_v], rows0_v, sem)
    cp1 = pltpu.async_copy(f1rows_hbm.at[idx1_v], rows1_v, sem)
    cp0.wait()
    for i in range(_C // 16):
        rows16 = lax.iota(jnp.int32, 16) + i * 16
        out0_v[pl.ds(i * 16, 16)] = plsc.load_gather(
            rows0_v, [rows16, col0_v[...]])
    cp1.wait()
    for i in range(_C // 16):
        rows16 = lax.iota(jnp.int32, 16) + i * 16
        out1_v[pl.ds(i * 16, 16)] = plsc.load_gather(
            rows1_v, [rows16, col1_v[...]])
    pltpu.sync_copy(out0_v, out_hbm.at[q0])
    pltpu.sync_copy(out1_v, out_hbm.at[q1])


def _gather_queries(f1rows, rowidx, colv):
    mesh = plsc.VectorSubcoreMesh(core_axis_name="c", subcore_axis_name="s")
    fn = functools.partial(
        pl.kernel,
        mesh=mesh,
        out_type=jax.ShapeDtypeStruct((_NQ, _C), jnp.float32),
        compiler_params=pltpu.CompilerParams(needs_layout_passes=False),
        scratch_types=[
            pltpu.VMEM((_C,), jnp.int32),
            pltpu.VMEM((_C,), jnp.int32),
            pltpu.VMEM((16,), jnp.int32),
            pltpu.VMEM((16,), jnp.int32),
            pltpu.VMEM((_C, _W), jnp.float32),
            pltpu.VMEM((_C, _W), jnp.float32),
            pltpu.VMEM((_C,), jnp.float32),
            pltpu.VMEM((_C,), jnp.float32),
            pltpu.SemaphoreType.DMA,
        ],
    )(_sc_gather_body)
    return fn(f1rows, rowidx, colv)


def _tc_body(q_ref, f2_ref, out_ref, m1_ref):
    j = pl.program_id(0)

    @pl.when(j == 0)
    def _init():
        m1_ref[...] = jnp.full((_NQ, _LW), jnp.inf, dtype=jnp.float32)

    q = q_ref[...]
    qn = jnp.sum(q * q, axis=1, keepdims=True)
    lhs = jnp.concatenate([
        jnp.concatenate([-2.0 * q,
                         jnp.zeros((_NQ, _C), jnp.float32)], axis=1),
        jnp.concatenate([jnp.zeros((1, _C), jnp.float32),
                         jnp.ones((1, _C), jnp.float32)], axis=1),
        jnp.zeros((7, 2 * _C), jnp.float32),
    ], axis=0)

    y = f2_ref[...].astype(jnp.bfloat16).reshape(_C, _BP)
    rhs = jnp.concatenate([y, y * y], axis=0)
    dot = lax.dot_general(lhs.astype(jnp.bfloat16), rhs,
                          (((1,), (0,)), ((), ())),
                          preferred_element_type=jnp.float32)

    dist = dot[:_NQ, :] + (qn + dot[_NQ:_NQ + 1, :])

    m1 = m1_ref[...]
    for t in range(_BP // _LW):
        m1 = jnp.minimum(m1, dist[:, t * _LW:(t + 1) * _LW])
    m1_ref[...] = m1

    @pl.when(j == _H // _BH - 1)
    def _fin():
        comb = m1
        acc = jnp.zeros((_NQ, 1), dtype=jnp.float32)
        for k in range(_K):
            m = jnp.min(comb, axis=1, keepdims=True)
            acc = acc + m
            if k < _K - 1:
                comb = jnp.where(comb == m, jnp.inf, comb)
        s = acc / float(_NQ * _K)
        out_ref[...] = jnp.sum(s, axis=0, keepdims=True)


def _topk_mean(q_all, f2_3d):
    return pl.pallas_call(
        _tc_body,
        grid=(_H // _BH,),
        in_specs=[
            pl.BlockSpec((_NQ, _C), lambda j: (0, 0)),
            pl.BlockSpec((_C, _BH, _W), lambda j: (0, j, 0)),
        ],
        out_specs=pl.BlockSpec((1, 1), lambda j: (0, 0)),
        out_shape=jax.ShapeDtypeStruct((1, 1), jnp.float32),
        scratch_shapes=[pltpu.VMEM((_NQ, _LW), jnp.float32)],
    )(q_all, f2_3d)


def kernel(feats1, feats2, positive_pairs):
    p = positive_pairs[0, :, 0].astype(jnp.int32)
    ch = jnp.arange(_C, dtype=jnp.int32)
    rowidx = ch[None, :] * _H + (p // _W)[:, None]
    colv = jnp.tile((p % _W)[:, None], (1, 16))

    f1rows = feats1.reshape(_C * _H, _W)
    q_all = _gather_queries(f1rows, rowidx, colv)

    f2_3d = feats2.reshape(_C, _H, _W)
    out = _topk_mean(q_all, f2_3d)
    return out[0, 0]

# --- scband reference (transcript-rebuilt; emitter-appended) ---
"""Pipeline reference for scband-negative-hardest-contrastive-loss-4672924418560 (READ-ONLY COPY).

The authoritative reference and input builder live on the scoring server;
editing this copy changes nothing except your own understanding.
"""

import jax, jax.numpy as jnp
import numpy as np
from jax import lax

PIXEL_LIMIT = 10
NUM_NEG_PAIRS = 64
NUM_NEG_INDICES_FOR_LOSS = 5


def _pixel_mask(center, w, n_pixels):
    m = np.array([np.arange(center + w * (i - PIXEL_LIMIT) - PIXEL_LIMIT, center + w * (i - PIXEL_LIMIT) + PIXEL_LIMIT) for i in range(PIXEL_LIMIT * 2)]).reshape(1, -1)
    return m[(m > 0) & (m < n_pixels)]


def _pixel_mask_bool(center, w, n_pixels, mask):
    rows = jnp.arange(PIXEL_LIMIT * 2) - PIXEL_LIMIT
    cols = jnp.arange(-PIXEL_LIMIT, PIXEL_LIMIT)
    idxs = (center + w * rows[:, None] + cols[None, :]).reshape(-1)
    valid = (idxs > 0) & (idxs < n_pixels)
    return mask.at[jnp.where(valid, idxs, n_pixels)].set(True, mode="drop")


def setup_inputs(seed: int = 0):
    key = jax.random.key(seed)
    k1, k2, k3 = jax.random.split(key, 3)
    feats1 = jax.random.normal(k1, (1, 96, 384, 384), dtype=jnp.float32)
    feats2 = jax.random.normal(k2, (1, 96, 384, 384), dtype=jnp.float32)
    positive_pairs = jax.random.randint(k3, (2, 64, 2), 0, 384 * 384).astype(jnp.int64)
    return {"feats1": feats1, "feats2": feats2, "positive_pairs": positive_pairs}


def reference(feats1, feats2, positive_pairs):
    b, c, h, w = feats1.shape
    feats1_flat = feats1.reshape(c, -1)
    feats2_flat = feats2.reshape(c, -1)
    n_pixels = feats1_flat.shape[-1]
    negative_indices1 = positive_pairs[0, :, 0]

    def per_negative(negative_loss, negative_idx):
        mask = _pixel_mask_bool(negative_idx, w, n_pixels, jnp.zeros((n_pixels,), dtype=bool))
        dist = jax.nn.relu(jnp.sum(jnp.power(feats1_flat[:, negative_idx][:, None] - feats2_flat, 2), axis=0))
        dist_sorted_indices = jnp.argsort(dist)

        def cond_fn(state):
            idx, counter, _, _ = state
            return (counter < NUM_NEG_INDICES_FOR_LOSS) & (idx < dist.shape[-1])

        def body_fn(state):
            idx, counter, mask, picks = state
            cand = dist_sorted_indices[idx]
            val = dist[cand]
            k = jnp.floor(val).astype(jnp.int32)
            k_safe = jnp.clip(k, 0, n_pixels - 1)
            in_mask = (val == k.astype(dist.dtype)) & (k >= 0) & (k < n_pixels) & mask[k_safe]
            picks = picks.at[counter].set(jnp.where(in_mask, picks[counter], cand))
            mask = lax.cond(in_mask, lambda m: m, lambda m: _pixel_mask_bool(cand, w, n_pixels, m), mask)
            counter = counter + jnp.where(in_mask, jnp.int32(0), jnp.int32(1))
            return idx + 1, counter, mask, picks

        init = (jnp.int32(0), jnp.int32(0), mask,
                jnp.zeros((NUM_NEG_INDICES_FOR_LOSS,), dtype=dist_sorted_indices.dtype))
        _, counter, _, picks = lax.while_loop(cond_fn, body_fn, init)
        picked = dist[picks] * (jnp.arange(NUM_NEG_INDICES_FOR_LOSS) < counter)
        mean_val = jnp.sum(picked) / counter.astype(dist.dtype)
        return negative_loss + mean_val, None

    negative_loss, _ = lax.scan(per_negative, jnp.float32(0.0), negative_indices1)
    return negative_loss / NUM_NEG_PAIRS

if __name__ == "__main__":
    import jax
    _d = setup_inputs()
    print(jax.jit(kernel)(*tuple(_d.values())))

</pallas_src>

<mosaic_0001>
#map = affine_map<(d0, d1) -> (0, 0)>
module attributes {stable_mosaic.version = 14 : i64} {
  func.func @_sc_gather_body(%arg0: i32, %arg1: i32, %arg2: memref<36864x384xf32, #tpu.memory_space<hbm>>, %arg3: memref<64x96xi32, #tpu.memory_space<hbm>>, %arg4: memref<64x16xi32, #tpu.memory_space<hbm>>, %arg5: memref<64x96xf32, #tpu.memory_space<hbm>>, %arg6: memref<96xi32, #tpu.memory_space<vmem>>, %arg7: memref<96xi32, #tpu.memory_space<vmem>>, %arg8: memref<16xi32, #tpu.memory_space<vmem>>, %arg9: memref<16xi32, #tpu.memory_space<vmem>>, %arg10: memref<96x384xf32, #tpu.memory_space<vmem>>, %arg11: memref<96x384xf32, #tpu.memory_space<vmem>>, %arg12: memref<96xf32, #tpu.memory_space<vmem>>, %arg13: memref<96xf32, #tpu.memory_space<vmem>>, %arg14: memref<!tpu.dma_semaphore, #tpu.memory_space<semaphore_mem>>) attributes {dimension_semantics = [#tpu.dimension_semantics<core_parallel>, #tpu.dimension_semantics<subcore_parallel>], iteration_bounds = array<i64: 2, 16>, scalar_prefetch = 0 : i64, scratch_operands = 9 : i64, tpu.core_type = #tpu.core_type<sc_vector_subcore>, window_params = [{transform_indices = #map}, {transform_indices = #map}, {transform_indices = #map}, {transform_indices = #map}]} {
    %mul3A = arith.constant 2 : i32
    %mul3A_0 = arith.muli %arg1, %mul3A : i32
    %add3A = arith.addi %mul3A_0, %arg0 : i32
    %mul3A_1 = arith.constant 2 : i32
    %mul3A_2 = arith.muli %add3A, %mul3A_1 : i32
    %add3A_3 = arith.constant 1 : i32
    %add3A_4 = arith.addi %mul3A_2, %add3A_3 : i32
    "tpu.region"() ({
      %run_scoped3A = tpu.sem_alloc : memref<!tpu.dma_semaphore, #tpu.memory_space<semaphore_mem>>
      %dma_start3A_119 = arith.constant 0 : i32
      %dma_start3A_120 = tpu.memref_slice %arg3[%mul3A_2, %dma_start3A_119] : memref<64x96xi32, #tpu.memory_space<hbm>> -> memref<1x96xi32, #tpu.memory_space<hbm>>
      %dma_start3A_121 = tpu.memref_squeeze %dma_start3A_120 : memref<1x96xi32, #tpu.memory_space<hbm>> -> memref<96xi32, #tpu.memory_space<hbm>>
      %dma_start3A_122 = arith.constant 0 : i32
      %dma_start3A_123 = tpu.memref_slice %arg3[%mul3A_2, %dma_start3A_122] : memref<64x96xi32, #tpu.memory_space<hbm>> -> memref<1x96xi32, #tpu.memory_space<hbm>>
      %dma_start3A_124 = tpu.memref_squeeze %dma_start3A_123 : memref<1x96xi32, #tpu.memory_space<hbm>> -> memref<96xi32, #tpu.memory_space<hbm>>
      tpu.enqueue_dma source(%dma_start3A_124 : memref<96xi32, #tpu.memory_space<hbm>>) target(%arg6 : memref<96xi32, #tpu.memory_space<vmem>>) target_semaphore(%run_scoped3A : memref<!tpu.dma_semaphore, #tpu.memory_space<semaphore_mem>>)
      %dma_wait3A_125 = arith.constant 0 : i32
      %dma_wait3A_126 = tpu.memref_slice %arg3[%mul3A_2, %dma_wait3A_125] : memref<64x96xi32, #tpu.memory_space<hbm>> -> memref<1x96xi32, #tpu.memory_space<hbm>>
      %dma_wait3A_127 = tpu.memref_squeeze %dma_wait3A_126 : memref<1x96xi32, #tpu.memory_space<hbm>> -> memref<96xi32, #tpu.memory_space<hbm>>
      %dma_wait3A_128 = arith.constant 0 : i32
      %dma_wait3A_129 = tpu.memref_slice %arg3[%mul3A_2, %dma_wait3A_128] : memref<64x96xi32, #tpu.memory_space<hbm>> -> memref<1x96xi32, #tpu.memory_space<hbm>>
      %dma_wait3A_130 = tpu.memref_squeeze %dma_wait3A_129 : memref<1x96xi32, #tpu.memory_space<hbm>> -> memref<96xi32, #tpu.memory_space<hbm>>
      tpu.wait_dma2 semaphore(%run_scoped3A : memref<!tpu.dma_semaphore, #tpu.memory_space<semaphore_mem>>) src(%dma_wait3A_130 : memref<96xi32, #tpu.memory_space<hbm>>) dst(%arg6 : memref<96xi32, #tpu.memory_space<vmem>>)
      tpu.yield
    }) : () -> ()
    "tpu.region"() ({
      %run_scoped3A = tpu.sem_alloc : memref<!tpu.dma_semaphore, #tpu.memory_space<semaphore_mem>>
      %dma_start3A_119 = arith.constant 0 : i32
      %dma_start3A_120 = tpu.memref_slice %arg3[%add3A_4, %dma_start3A_119] : memref<64x96xi32, #tpu.memory_space<hbm>> -> memref<1x96xi32, #tpu.memory_space<hbm>>
      %dma_start3A_121 = tpu.memref_squeeze %dma_start3A_120 : memref<1x96xi32, #tpu.memory_space<hbm>> -> memref<96xi32, #tpu.memory_space<hbm>>
      %dma_start3A_122 = arith.constant 0 : i32
      %dma_start3A_123 = tpu.memref_slice %arg3[%add3A_4, %dma_start3A_122] : memref<64x96xi32, #tpu.memory_space<hbm>> -> memref<1x96xi32, #tpu.memory_space<hbm>>
      %dma_start3A_124 = tpu.memref_squeeze %dma_start3A_123 : memref<1x96xi32, #tpu.memory_space<hbm>> -> memref<96xi32, #tpu.memory_space<hbm>>
      tpu.enqueue_dma source(%dma_start3A_124 : memref<96xi32, #tpu.memory_space<hbm>>) target(%arg7 : memref<96xi32, #tpu.memory_space<vmem>>) target_semaphore(%run_scoped3A : memref<!tpu.dma_semaphore, #tpu.memory_space<semaphore_mem>>)
      %dma_wait3A_125 = arith.constant 0 : i32
      %dma_wait3A_126 = tpu.memref_slice %arg3[%add3A_4, %dma_wait3A_125] : memref<64x96xi32, #tpu.memory_space<hbm>> -> memref<1x96xi32, #tpu.memory_space<hbm>>
      %dma_wait3A_127 = tpu.memref_squeeze %dma_wait3A_126 : memref<1x96xi32, #tpu.memory_space<hbm>> -> memref<96xi32, #tpu.memory_space<hbm>>
      %dma_wait3A_128 = arith.constant 0 : i32
      %dma_wait3A_129 = tpu.memref_slice %arg3[%add3A_4, %dma_wait3A_128] : memref<64x96xi32, #tpu.memory_space<hbm>> -> memref<1x96xi32, #tpu.memory_space<hbm>>
      %dma_wait3A_130 = tpu.memref_squeeze %dma_wait3A_129 : memref<1x96xi32, #tpu.memory_space<hbm>> -> memref<96xi32, #tpu.memory_space<hbm>>
      tpu.wait_dma2 semaphore(%run_scoped3A : memref<!tpu.dma_semaphore, #tpu.memory_space<semaphore_mem>>) src(%dma_wait3A_130 : memref<96xi32, #tpu.memory_space<hbm>>) dst(%arg7 : memref<96xi32, #tpu.memory_space<vmem>>)
      tpu.yield
    }) : () -> ()
    "tpu.region"() ({
      %run_scoped3A = tpu.sem_alloc : memref<!tpu.dma_semaphore, #tpu.memory_space<semaphore_mem>>
      %dma_start3A_119 = arith.constant 0 : i32
      %dma_start3A_120 = tpu.memref_slice %arg4[%mul3A_2, %dma_start3A_119] : memref<64x16xi32, #tpu.memory_space<hbm>> -> memref<1x16xi32, #tpu.memory_space<hbm>>
      %dma_start3A_121 = tpu.memref_squeeze %dma_start3A_120 : memref<1x16xi32, #tpu.memory_space<hbm>> -> memref<16xi32, #tpu.memory_space<hbm>>
      %dma_start3A_122 = arith.constant 0 : i32
      %dma_start3A_123 = tpu.memref_slice %arg4[%mul3A_2, %dma_start3A_122] : memref<64x16xi32, #tpu.memory_space<hbm>> -> memref<1x16xi32, #tpu.memory_space<hbm>>
      %dma_start3A_124 = tpu.memref_squeeze %dma_start3A_123 : memref<1x16xi32, #tpu.memory_space<hbm>> -> memref<16xi32, #tpu.memory_space<hbm>>
      tpu.enqueue_dma source(%dma_start3A_124 : memref<16xi32, #tpu.memory_space<hbm>>) target(%arg8 : memref<16xi32, #tpu.memory_space<vmem>>) target_semaphore(%run_scoped3A : memref<!tpu.dma_semaphore, #tpu.memory_space<semaphore_mem>>)
      %dma_wait3A_125 = arith.constant 0 : i32
      %dma_wait3A_126 = tpu.memref_slice %arg4[%mul3A_2, %dma_wait3A_125] : memref<64x16xi32, #tpu.memory_space<hbm>> -> memref<1x16xi32, #tpu.memory_space<hbm>>
      %dma_wait3A_127 = tpu.memref_squeeze %dma_wait3A_126 : memref<1x16xi32, #tpu.memory_space<hbm>> -> memref<16xi32, #tpu.memory_space<hbm>>
      %dma_wait3A_128 = arith.constant 0 : i32
      %dma_wait3A_129 = tpu.memref_slice %arg4[%mul3A_2, %dma_wait3A_128] : memref<64x16xi32, #tpu.memory_space<hbm>> -> memref<1x16xi32, #tpu.memory_space<hbm>>
      %dma_wait3A_130 = tpu.memref_squeeze %dma_wait3A_129 : memref<1x16xi32, #tpu.memory_space<hbm>> -> memref<16xi32, #tpu.memory_space<hbm>>
      tpu.wait_dma2 semaphore(%run_scoped3A : memref<!tpu.dma_semaphore, #tpu.memory_space<semaphore_mem>>) src(%dma_wait3A_130 : memref<16xi32, #tpu.memory_space<hbm>>) dst(%arg8 : memref<16xi32, #tpu.memory_space<vmem>>)
      tpu.yield
    }) : () -> ()
    "tpu.region"() ({
      %run_scoped3A = tpu.sem_alloc : memref<!tpu.dma_semaphore, #tpu.memory_space<semaphore_mem>>
      %dma_start3A_119 = arith.constant 0 : i32
      %dma_start3A_120 = tpu.memref_slice %arg4[%add3A_4, %dma_start3A_119] : memref<64x16xi32, #tpu.memory_space<hbm>> -> memref<1x16xi32, #tpu.memory_space<hbm>>
      %dma_start3A_121 = tpu.memref_squeeze %dma_start3A_120 : memref<1x16xi32, #tpu.memory_space<hbm>> -> memref<16xi32, #tpu.memory_space<hbm>>
      %dma_start3A_122 = arith.constant 0 : i32
      %dma_start3A_123 = tpu.memref_slice %arg4[%add3A_4, %dma_start3A_122] : memref<64x16xi32, #tpu.memory_space<hbm>> -> memref<1x16xi32, #tpu.memory_space<hbm>>
      %dma_start3A_124 = tpu.memref_squeeze %dma_start3A_123 : memref<1x16xi32, #tpu.memory_space<hbm>> -> memref<16xi32, #tpu.memory_space<hbm>>
      tpu.enqueue_dma source(%dma_start3A_124 : memref<16xi32, #tpu.memory_space<hbm>>) target(%arg9 : memref<16xi32, #tpu.memory_space<vmem>>) target_semaphore(%run_scoped3A : memref<!tpu.dma_semaphore, #tpu.memory_space<semaphore_mem>>)
      %dma_wait3A_125 = arith.constant 0 : i32
      %dma_wait3A_126 = tpu.memref_slice %arg4[%add3A_4, %dma_wait3A_125] : memref<64x16xi32, #tpu.memory_space<hbm>> -> memref<1x16xi32, #tpu.memory_space<hbm>>
      %dma_wait3A_127 = tpu.memref_squeeze %dma_wait3A_126 : memref<1x16xi32, #tpu.memory_space<hbm>> -> memref<16xi32, #tpu.memory_space<hbm>>
      %dma_wait3A_128 = arith.constant 0 : i32
      %dma_wait3A_129 = tpu.memref_slice %arg4[%add3A_4, %dma_wait3A_128] : memref<64x16xi32, #tpu.memory_space<hbm>> -> memref<1x16xi32, #tpu.memory_space<hbm>>
      %dma_wait3A_130 = tpu.memref_squeeze %dma_wait3A_129 : memref<1x16xi32, #tpu.memory_space<hbm>> -> memref<16xi32, #tpu.memory_space<hbm>>
      tpu.wait_dma2 semaphore(%run_scoped3A : memref<!tpu.dma_semaphore, #tpu.memory_space<semaphore_mem>>) src(%dma_wait3A_130 : memref<16xi32, #tpu.memory_space<hbm>>) dst(%arg9 : memref<16xi32, #tpu.memory_space<vmem>>)
      tpu.yield
    }) : () -> ()
    %dma_start3A = arith.constant 0 : i32
    %dma_start3A_5 = arith.constant 0 : i32
    %dma_start3A_6 = tpu.memref_slice %arg2[%dma_start3A, %dma_start3A_5] : memref<36864x384xf32, #tpu.memory_space<hbm>> -> memref<36864x384xf32, #tpu.memory_space<hbm>>
    tpu.enqueue_indirect_dma source(%dma_start3A_6 : memref<36864x384xf32, #tpu.memory_space<hbm>>) target(%arg10 : memref<96x384xf32, #tpu.memory_space<vmem>>) offsets(%arg6 : memref<96xi32, #tpu.memory_space<vmem>>) semaphore(%arg14 : memref<!tpu.dma_semaphore, #tpu.memory_space<semaphore_mem>>)
    %dma_start3A_7 = arith.constant 0 : i32
    %dma_start3A_8 = arith.constant 0 : i32
    %dma_start3A_9 = tpu.memref_slice %arg2[%dma_start3A_7, %dma_start3A_8] : memref<36864x384xf32, #tpu.memory_space<hbm>> -> memref<36864x384xf32, #tpu.memory_space<hbm>>
    tpu.enqueue_indirect_dma source(%dma_start3A_9 : memref<36864x384xf32, #tpu.memory_space<hbm>>) target(%arg11 : memref<96x384xf32, #tpu.memory_space<vmem>>) offsets(%arg7 : memref<96xi32, #tpu.memory_space<vmem>>) semaphore(%arg14 : memref<!tpu.dma_semaphore, #tpu.memory_space<semaphore_mem>>)
    %dma_wait3A = arith.constant 0 : i32
    %dma_wait3A_10 = arith.constant 0 : i32
    %dma_wait3A_11 = tpu.memref_slice %arg2[%dma_wait3A, %dma_wait3A_10] : memref<36864x384xf32, #tpu.memory_space<hbm>> -> memref<36864x384xf32, #tpu.memory_space<hbm>>
    tpu.wait_indirect_dma semaphore(%arg14 : memref<!tpu.dma_semaphore, #tpu.memory_space<semaphore_mem>>) src(%dma_wait3A_11 : memref<36864x384xf32, #tpu.memory_space<hbm>>) dst(%arg10 : memref<96x384xf32, #tpu.memory_space<vmem>>)
    %iota3A = tpu.iota {dimensions = array<i32: 0>} : vector<16xi32>
    %add3A_12 = arith.constant 0 : i32
    %add3A_13 = vector.broadcast %add3A_12 : i32 to vector<16xi32>
    %add3A_14 = arith.addi %iota3A, %add3A_13 : vector<16xi32>
    %get3A = arith.constant 0 : index
    %get3A_15 = tpu.vector_load %arg8[%get3A] {strides = array<i32>} : memref<16xi32, #tpu.memory_space<vmem>>, vector<16xi32>,
    %gather3A = tpu.vector_load_idx %arg10[%add3A_14, %get3A_15] : memref<96x384xf32, #tpu.memory_space<vmem>>[vector<16xi32>, vector<16xi32>], vector<16xf32>,
    %swap3A = arith.constant 0 : index
    %swap3A_16 = tpu.vector_load %arg12[%swap3A] {strides = array<i32>} : memref<96xf32, #tpu.memory_space<vmem>>, vector<16xf32>,
    tpu.vector_store %arg12[%swap3A], %gather3A {strides = array<i32>} : memref<96xf32, #tpu.memory_space<vmem>>, vector<16xf32>,
    %iota3A_17 = tpu.iota {dimensions = array<i32: 0>} : vector<16xi32>
    %add3A_18 = arith.constant 16 : i32
    %add3A_19 = vector.broadcast %add3A_18 : i32 to vector<16xi32>
    %add3A_20 = arith.addi %iota3A_17, %add3A_19 : vector<16xi32>
    %get3A_21 = arith.constant 0 : index
    %get3A_22 = tpu.vector_load %arg8[%get3A_21] {strides = array<i32>} : memref<16xi32, #tpu.memory_space<vmem>>, vector<16xi32>,
    %gather3A_23 = tpu.vector_load_idx %arg10[%add3A_20, %get3A_22] : memref<96x384xf32, #tpu.memory_space<vmem>>[vector<16xi32>, vector<16xi32>], vector<16xf32>,
    %swap3A_24 = arith.constant 16 : index
    %swap3A_25 = tpu.vector_load %arg12[%swap3A_24] {strides = array<i32>} : memref<96xf32, #tpu.memory_space<vmem>>, vector<16xf32>,
    tpu.vector_store %arg12[%swap3A_24], %gather3A_23 {strides = array<i32>} : memref<96xf32, #tpu.memory_space<vmem>>, vector<16xf32>,
    %iota3A_26 = tpu.iota {dimensions = array<i32: 0>} : vector<16xi32>
    %add3A_27 = arith.constant 32 : i32
    %add3A_28 = vector.broadcast %add3A_27 : i32 to vector<16xi32>
    %add3A_29 = arith.addi %iota3A_26, %add3A_28 : vector<16xi32>
    %get3A_30 = arith.constant 0 : index
    %get3A_31 = tpu.vector_load %arg8[%get3A_30] {strides = array<i32>} : memref<16xi32, #tpu.memory_space<vmem>>, vector<16xi32>,
    %gather3A_32 = tpu.vector_load_idx %arg10[%add3A_29, %get3A_31] : memref<96x384xf32, #tpu.memory_space<vmem>>[vector<16xi32>, vector<16xi32>], vector<16xf32>,
    %swap3A_33 = arith.constant 32 : index
    %swap3A_34 = tpu.vector_load %arg12[%swap3A_33] {strides = array<i32>} : memref<96xf32, #tpu.memory_space<vmem>>, vector<16xf32>,
    tpu.vector_store %arg12[%swap3A_33], %gather3A_32 {strides = array<i32>} : memref<96xf32, #tpu.memory_space<vmem>>, vector<16xf32>,
    %iota3A_35 = tpu.iota {dimensions = array<i32: 0>} : vector<16xi32>
    %add3A_36 = arith.constant 48 : i32
    %add3A_37 = vector.broadcast %add3A_36 : i32 to vector<16xi32>
    %add3A_38 = arith.addi %iota3A_35, %add3A_37 : vector<16xi32>
    %get3A_39 = arith.constant 0 : index
    %get3A_40 = tpu.vector_load %arg8[%get3A_39] {strides = array<i32>} : memref<16xi32, #tpu.memory_space<vmem>>, vector<16xi32>,
    %gather3A_41 = tpu.vector_load_idx %arg10[%add3A_38, %get3A_40] : memref<96x384xf32, #tpu.memory_space<vmem>>[vector<16xi32>, vector<16xi32>], vector<16xf32>,
    %swap3A_42 = arith.constant 48 : index
    %swap3A_43 = tpu.vector_load %arg12[%swap3A_42] {strides = array<i32>} : memref<96xf32, #tpu.memory_space<vmem>>, vector<16xf32>,
    tpu.vector_store %arg12[%swap3A_42], %gather3A_41 {strides = array<i32>} : memref<96xf32, #tpu.memory_space<vmem>>, vector<16xf32>,
    %iota3A_44 = tpu.iota {dimensions = array<i32: 0>} : vector<16xi32>
    %add3A_45 = arith.constant 64 : i32
    %add3A_46 = vector.broadcast %add3A_45 : i32 to vector<16xi32>
    %add3A_47 = arith.addi %iota3A_44, %add3A_46 : vector<16xi32>
    %get3A_48 = arith.constant 0 : index
    %get3A_49 = tpu.vector_load %arg8[%get3A_48] {strides = array<i32>} : memref<16xi32, #tpu.memory_space<vmem>>, vector<16xi32>,
    %gather3A_50 = tpu.vector_load_idx %arg10[%add3A_47, %get3A_49] : memref<96x384xf32, #tpu.memory_space<vmem>>[vector<16xi32>, vector<16xi32>], vector<16xf32>,
    %swap3A_51 = arith.constant 64 : index
    %swap3A_52 = tpu.vector_load %arg12[%swap3A_51] {strides = array<i32>} : memref<96xf32, #tpu.memory_space<vmem>>, vector<16xf32>,
    tpu.vector_store %arg12[%swap3A_51], %gather3A_50 {strides = array<i32>} : memref<96xf32, #tpu.memory_space<vmem>>, vector<16xf32>,
    %iota3A_53 = tpu.iota {dimensions = array<i32: 0>} : vector<16xi32>
    %add3A_54 = arith.constant 80 : i32
    %add3A_55 = vector.broadcast %add3A_54 : i32 to vector<16xi32>
    %add3A_56 = arith.addi %iota3A_53, %add3A_55 : vector<16xi32>
    %get3A_57 = arith.constant 0 : index
    %get3A_58 = tpu.vector_load %arg8[%get3A_57] {strides = array<i32>} : memref<16xi32, #tpu.memory_space<vmem>>, vector<16xi32>,
    %gather3A_59 = tpu.vector_load_idx %arg10[%add3A_56, %get3A_58] : memref<96x384xf32, #tpu.memory_space<vmem>>[vector<16xi32>, vector<16xi32>], vector<16xf32>,
    %swap3A_60 = arith.constant 80 : index
    %swap3A_61 = tpu.vector_load %arg12[%swap3A_60] {strides = array<i32>} : memref<96xf32, #tpu.memory_space<vmem>>, vector<16xf32>,
    tpu.vector_store %arg12[%swap3A_60], %gather3A_59 {strides = array<i32>} : memref<96xf32, #tpu.memory_space<vmem>>, vector<16xf32>,
    %dma_wait3A_62 = arith.constant 0 : i32
    %dma_wait3A_63 = arith.constant 0 : i32
    %dma_wait3A_64 = tpu.memref_slice %arg2[%dma_wait3A_62, %dma_wait3A_63] : memref<36864x384xf32, #tpu.memory_space<hbm>> -> memref<36864x384xf32, #tpu.memory_space<hbm>>
    tpu.wait_indirect_dma semaphore(%arg14 : memref<!tpu.dma_semaphore, #tpu.memory_space<semaphore_mem>>) src(%dma_wait3A_64 : memref<36864x384xf32, #tpu.memory_space<hbm>>) dst(%arg11 : memref<96x384xf32, #tpu.memory_space<vmem>>)
    %iota3A_65 = tpu.iota {dimensions = array<i32: 0>} : vector<16xi32>
    %add3A_66 = arith.constant 0 : i32
    %add3A_67 = vector.broadcast %add3A_66 : i32 to vector<16xi32>
    %add3A_68 = arith.addi %iota3A_65, %add3A_67 : vector<16xi32>
    %get3A_69 = arith.constant 0 : index
    %get3A_70 = tpu.vector_load %arg9[%get3A_69] {strides = array<i32>} : memref<16xi32, #tpu.memory_space<vmem>>, vector<16xi32>,
    %gather3A_71 = tpu.vector_load_idx %arg11[%add3A_68, %get3A_70] : memref<96x384xf32, #tpu.memory_space<vmem>>[vector<16xi32>, vector<16xi32>], vector<16xf32>,
    %swap3A_72 = arith.constant 0 : index
    %swap3A_73 = tpu.vector_load %arg13[%swap3A_72] {strides = array<i32>} : memref<96xf32, #tpu.memory_space<vmem>>, vector<16xf32>,
    tpu.vector_store %arg13[%swap3A_72], %gather3A_71 {strides = array<i32>} : memref<96xf32, #tpu.memory_space<vmem>>, vector<16xf32>,
    %iota3A_74 = tpu.iota {dimensions = array<i32: 0>} : vector<16xi32>
    %add3A_75 = arith.constant 16 : i32
    %add3A_76 = vector.broadcast %add3A_75 : i32 to vector<16xi32>
    %add3A_77 = arith.addi %iota3A_74, %add3A_76 : vector<16xi32>
    %get3A_78 = arith.constant 0 : index
    %get3A_79 = tpu.vector_load %arg9[%get3A_78] {strides = array<i32>} : memref<16xi32, #tpu.memory_space<vmem>>, vector<16xi32>,
    %gather3A_80 = tpu.vector_load_idx %arg11[%add3A_77, %get3A_79] : memref<96x384xf32, #tpu.memory_space<vmem>>[vector<16xi32>, vector<16xi32>], vector<16xf32>,
    %swap3A_81 = arith.constant 16 : index
    %swap3A_82 = tpu.vector_load %arg13[%swap3A_81] {strides = array<i32>} : memref<96xf32, #tpu.memory_space<vmem>>, vector<16xf32>,
    tpu.vector_store %arg13[%swap3A_81], %gather3A_80 {strides = array<i32>} : memref<96xf32, #tpu.memory_space<vmem>>, vector<16xf32>,
    %iota3A_83 = tpu.iota {dimensions = array<i32: 0>} : vector<16xi32>
    %add3A_84 = arith.constant 32 : i32
    %add3A_85 = vector.broadcast %add3A_84 : i32 to vector<16xi32>
    %add3A_86 = arith.addi %iota3A_83, %add3A_85 : vector<16xi32>
    %get3A_87 = arith.constant 0 : index
    %get3A_88 = tpu.vector_load %arg9[%get3A_87] {strides = array<i32>} : memref<16xi32, #tpu.memory_space<vmem>>, vector<16xi32>,
    %gather3A_89 = tpu.vector_load_idx %arg11[%add3A_86, %get3A_88] : memref<96x384xf32, #tpu.memory_space<vmem>>[vector<16xi32>, vector<16xi32>], vector<16xf32>,
    %swap3A_90 = arith.constant 32 : index
    %swap3A_91 = tpu.vector_load %arg13[%swap3A_90] {strides = array<i32>} : memref<96xf32, #tpu.memory_space<vmem>>, vector<16xf32>,
    tpu.vector_store %arg13[%swap3A_90], %gather3A_89 {strides = array<i32>} : memref<96xf32, #tpu.memory_space<vmem>>, vector<16xf32>,
    %iota3A_92 = tpu.iota {dimensions = array<i32: 0>} : vector<16xi32>
    %add3A_93 = arith.constant 48 : i32
    %add3A_94 = vector.broadcast %add3A_93 : i32 to vector<16xi32>
    %add3A_95 = arith.addi %iota3A_92, %add3A_94 : vector<16xi32>
    %get3A_96 = arith.constant 0 : index
    %get3A_97 = tpu.vector_load %arg9[%get3A_96] {strides = array<i32>} : memref<16xi32, #tpu.memory_space<vmem>>, vector<16xi32>,
    %gather3A_98 = tpu.vector_load_idx %arg11[%add3A_95, %get3A_97] : memref<96x384xf32, #tpu.memory_space<vmem>>[vector<16xi32>, vector<16xi32>], vector<16xf32>,
    %swap3A_99 = arith.constant 48 : index
    %swap3A_100 = tpu.vector_load %arg13[%swap3A_99] {strides = array<i32>} : memref<96xf32, #tpu.memory_space<vmem>>, vector<16xf32>,
    tpu.vector_store %arg13[%swap3A_99], %gather3A_98 {strides = array<i32>} : memref<96xf32, #tpu.memory_space<vmem>>, vector<16xf32>,
    %iota3A_101 = tpu.iota {dimensions = array<i32: 0>} : vector<16xi32>
    %add3A_102 = arith.constant 64 : i32
    %add3A_103 = vector.broadcast %add3A_102 : i32 to vector<16xi32>
    %add3A_104 = arith.addi %iota3A_101, %add3A_103 : vector<16xi32>
    %get3A_105 = arith.constant 0 : index
    %get3A_106 = tpu.vector_load %arg9[%get3A_105] {strides = array<i32>} : memref<16xi32, #tpu.memory_space<vmem>>, vector<16xi32>,
    %gather3A_107 = tpu.vector_load_idx %arg11[%add3A_104, %get3A_106] : memref<96x384xf32, #tpu.memory_space<vmem>>[vector<16xi32>, vector<16xi32>], vector<16xf32>,
    %swap3A_108 = arith.constant 64 : index
    %swap3A_109 = tpu.vector_load %arg13[%swap3A_108] {strides = array<i32>} : memref<96xf32, #tpu.memory_space<vmem>>, vector<16xf32>,
    tpu.vector_store %arg13[%swap3A_108], %gather3A_107 {strides = array<i32>} : memref<96xf32, #tpu.memory_space<vmem>>, vector<16xf32>,
    %iota3A_110 = tpu.iota {dimensions = array<i32: 0>} : vector<16xi32>
    %add3A_111 = arith.constant 80 : i32
    %add3A_112 = vector.broadcast %add3A_111 : i32 to vector<16xi32>
    %add3A_113 = arith.addi %iota3A_110, %add3A_112 : vector<16xi32>
    %get3A_114 = arith.constant 0 : index
    %get3A_115 = tpu.vector_load %arg9[%get3A_114] {strides = array<i32>} : memref<16xi32, #tpu.memory_space<vmem>>, vector<16xi32>,
    %gather3A_116 = tpu.vector_load_idx %arg11[%add3A_113, %get3A_115] : memref<96x384xf32, #tpu.memory_space<vmem>>[vector<16xi32>, vector<16xi32>], vector<16xf32>,
    %swap3A_117 = arith.constant 80 : index
    %swap3A_118 = tpu.vector_load %arg13[%swap3A_117] {strides = array<i32>} : memref<96xf32, #tpu.memory_space<vmem>>, vector<16xf32>,
    tpu.vector_store %arg13[%swap3A_117], %gather3A_116 {strides = array<i32>} : memref<96xf32, #tpu.memory_space<vmem>>, vector<16xf32>,
    "tpu.region"() ({
      %run_scoped3A = tpu.sem_alloc : memref<!tpu.dma_semaphore, #tpu.memory_space<semaphore_mem>>
      %dma_start3A_119 = arith.constant 0 : i32
      %dma_start3A_120 = tpu.memref_slice %arg5[%mul3A_2, %dma_start3A_119] : memref<64x96xf32, #tpu.memory_space<hbm>> -> memref<1x96xf32, #tpu.memory_space<hbm>>
      %dma_start3A_121 = tpu.memref_squeeze %dma_start3A_120 : memref<1x96xf32, #tpu.memory_space<hbm>> -> memref<96xf32, #tpu.memory_space<hbm>>
      %dma_start3A_122 = arith.constant 0 : i32
      %dma_start3A_123 = tpu.memref_slice %arg5[%mul3A_2, %dma_start3A_122] : memref<64x96xf32, #tpu.memory_space<hbm>> -> memref<1x96xf32, #tpu.memory_space<hbm>>
      %dma_start3A_124 = tpu.memref_squeeze %dma_start3A_123 : memref<1x96xf32, #tpu.memory_space<hbm>> -> memref<96xf32, #tpu.memory_space<hbm>>
      tpu.enqueue_dma source(%arg12 : memref<96xf32, #tpu.memory_space<vmem>>) target(%dma_start3A_124 : memref<96xf32, #tpu.memory_space<hbm>>) target_semaphore(%run_scoped3A : memref<!tpu.dma_semaphore, #tpu.memory_space<semaphore_mem>>)
      %dma_wait3A_125 = arith.constant 0 : i32
      %dma_wait3A_126 = tpu.memref_slice %arg5[%mul3A_2, %dma_wait3A_125] : memref<64x96xf32, #tpu.memory_space<hbm>> -> memref<1x96xf32, #tpu.memory_space<hbm>>
      %dma_wait3A_127 = tpu.memref_squeeze %dma_wait3A_126 : memref<1x96xf32, #tpu.memory_space<hbm>> -> memref<96xf32, #tpu.memory_space<hbm>>
      %dma_wait3A_128 = arith.constant 0 : i32
      %dma_wait3A_129 = tpu.memref_slice %arg5[%mul3A_2, %dma_wait3A_128] : memref<64x96xf32, #tpu.memory_space<hbm>> -> memref<1x96xf32, #tpu.memory_space<hbm>>
      %dma_wait3A_130 = tpu.memref_squeeze %dma_wait3A_129 : memref<1x96xf32, #tpu.memory_space<hbm>> -> memref<96xf32, #tpu.memory_space<hbm>>
      tpu.wait_dma2 semaphore(%run_scoped3A : memref<!tpu.dma_semaphore, #tpu.memory_space<semaphore_mem>>) src(%arg12 : memref<96xf32, #tpu.memory_space<vmem>>) dst(%dma_wait3A_130 : memref<96xf32, #tpu.memory_space<hbm>>)
      tpu.yield
    }) : () -> ()
    "tpu.region"() ({
      %run_scoped3A = tpu.sem_alloc : memref<!tpu.dma_semaphore, #tpu.memory_space<semaphore_mem>>
      %dma_start3A_119 = arith.constant 0 : i32
      %dma_start3A_120 = tpu.memref_slice %arg5[%add3A_4, %dma_start3A_119] : memref<64x96xf32, #tpu.memory_space<hbm>> -> memref<1x96xf32, #tpu.memory_space<hbm>>
      %dma_start3A_121 = tpu.memref_squeeze %dma_start3A_120 : memref<1x96xf32, #tpu.memory_space<hbm>> -> memref<96xf32, #tpu.memory_space<hbm>>
      %dma_start3A_122 = arith.constant 0 : i32
      %dma_start3A_123 = tpu.memref_slice %arg5[%add3A_4, %dma_start3A_122] : memref<64x96xf32, #tpu.memory_space<hbm>> -> memref<1x96xf32, #tpu.memory_space<hbm>>
      %dma_start3A_124 = tpu.memref_squeeze %dma_start3A_123 : memref<1x96xf32, #tpu.memory_space<hbm>> -> memref<96xf32, #tpu.memory_space<hbm>>
      tpu.enqueue_dma source(%arg13 : memref<96xf32, #tpu.memory_space<vmem>>) target(%dma_start3A_124 : memref<96xf32, #tpu.memory_space<hbm>>) target_semaphore(%run_scoped3A : memref<!tpu.dma_semaphore, #tpu.memory_space<semaphore_mem>>)
      %dma_wait3A_125 = arith.constant 0 : i32
      %dma_wait3A_126 = tpu.memref_slice %arg5[%add3A_4, %dma_wait3A_125] : memref<64x96xf32, #tpu.memory_space<hbm>> -> memref<1x96xf32, #tpu.memory_space<hbm>>
      %dma_wait3A_127 = tpu.memref_squeeze %dma_wait3A_126 : memref<1x96xf32, #tpu.memory_space<hbm>> -> memref<96xf32, #tpu.memory_space<hbm>>
      %dma_wait3A_128 = arith.constant 0 : i32
      %dma_wait3A_129 = tpu.memref_slice %arg5[%add3A_4, %dma_wait3A_128] : memref<64x96xf32, #tpu.memory_space<hbm>> -> memref<1x96xf32, #tpu.memory_space<hbm>>
      %dma_wait3A_130 = tpu.memref_squeeze %dma_wait3A_129 : memref<1x96xf32, #tpu.memory_space<hbm>> -> memref<96xf32, #tpu.memory_space<hbm>>
      tpu.wait_dma2 semaphore(%run_scoped3A : memref<!tpu.dma_semaphore, #tpu.memory_space<semaphore_mem>>) src(%arg13 : memref<96xf32, #tpu.memory_space<vmem>>) dst(%dma_wait3A_130 : memref<96xf32, #tpu.memory_space<hbm>>)
      tpu.yield
    }) : () -> ()
    return
  }
}

module attributes {stable_mosaic.version = 14 : i64} {
  func.func @_tc_body(%arg0: i32, %arg1: memref<64x96xf32, #tpu.memory_space<vmem>>, %arg2: memref<96x48x384xf32, #tpu.memory_space<vmem>>, %arg3: memref<1x1xf32, #tpu.memory_space<vmem>>, %arg4: memref<64x1024xf32, #tpu.memory_space<vmem>>) attributes {dimension_semantics = [#tpu.dimension_semantics<arbitrary>], iteration_bounds = array<i64: 8>, scalar_prefetch = 0 : i64, scratch_operands = 1 : i64, tpu.core_type = #tpu.core_type<tc>, window_params = [{pipeline_mode = #tpu.pipeline_mode<synchronous>, transform_indices = @transform_0, window_bounds = array<i64: 64, 96>}, {transform_indices = @transform_1, window_bounds = array<i64: 96, 48, 384>}, {pipeline_mode = #tpu.pipeline_mode<synchronous>, transform_indices = @transform_2, window_bounds = array<i64: 1, 1>}]} {
    %eq3A = arith.constant 0 : i32
    %eq3A_0 = arith.cmpi eq, %arg0, %eq3A : i32
    %convert_element_type3A = arith.extui %eq3A_0 : i1 to i32
    %cond3A = arith.constant 0 : i32
    %cond3A_1 = arith.cmpi ne, %convert_element_type3A, %cond3A : i32
    scf.if %cond3A_1 {
      %broadcast_in_dim3A_76 = arith.constant 0x7F800000 : f32
      %broadcast_in_dim3A_77 = vector.broadcast %broadcast_in_dim3A_76 : f32 to vector<64x1024xf32>
      %swap3A_78 = arith.constant 0 : index
      %swap3A_79 = arith.constant 0 : index
      %swap3A_80 = vector.load %arg4[%swap3A_78, %swap3A_79] : memref<64x1024xf32, #tpu.memory_space<vmem>>, vector<64x1024xf32>
      tpu.vector_store %arg4[%swap3A_78, %swap3A_79], %broadcast_in_dim3A_77 {strides = array<i32>} : memref<64x1024xf32, #tpu.memory_space<vmem>>, vector<64x1024xf32>,
    } else {
    }
    %get3A = arith.constant 0 : index
    %get3A_2 = arith.constant 0 : index
    %get3A_3 = vector.load %arg1[%get3A, %get3A_2] : memref<64x96xf32, #tpu.memory_space<vmem>>, vector<64x96xf32>
    %mul3A = arith.mulf %get3A_3, %get3A_3 : vector<64x96xf32>
    %reduce_sum3A = arith.constant dense<0.000000e+00> : vector<64xf32>
    %reduce_sum3A_4 = vector.multi_reduction <add>, %mul3A, %reduce_sum3A [1] : vector<64x96xf32> to vector<64xf32>
    %broadcast_in_dim3A = vector.shape_cast %reduce_sum3A_4 : vector<64xf32> to vector<64x1xf32>
    %mul3A_5 = arith.constant -2.000000e+00 : f32
    %mul3A_6 = vector.broadcast %mul3A_5 : f32 to vector<64x96xf32>
    %mul3A_7 = arith.mulf %mul3A_6, %get3A_3 : vector<64x96xf32>
    %broadcast_in_dim3A_8 = arith.constant 0.000000e+00 : f32
    %broadcast_in_dim3A_9 = vector.broadcast %broadcast_in_dim3A_8 : f32 to vector<64x96xf32>
    %concatenate3A = tpu.concatenate %mul3A_7, %broadcast_in_dim3A_9 in 1 : vector<64x96xf32>, vector<64x96xf32> -> vector<64x192xf32>
    %broadcast_in_dim3A_10 = arith.constant 0.000000e+00 : f32
    %broadcast_in_dim3A_11 = vector.broadcast %broadcast_in_dim3A_10 : f32 to vector<1x96xf32>
    %broadcast_in_dim3A_12 = arith.constant 1.000000e+00 : f32
    %broadcast_in_dim3A_13 = vector.broadcast %broadcast_in_dim3A_12 : f32 to vector<1x96xf32>
    %concatenate3A_14 = tpu.concatenate %broadcast_in_dim3A_11, %broadcast_in_dim3A_13 in 1 : vector<1x96xf32>, vector<1x96xf32> -> vector<1x192xf32>
    %broadcast_in_dim3A_15 = arith.constant 0.000000e+00 : f32
    %broadcast_in_dim3A_16 = vector.broadcast %broadcast_in_dim3A_15 : f32 to vector<7x192xf32>
    %concatenate3A_17 = tpu.concatenate %concatenate3A, %concatenate3A_14, %broadcast_in_dim3A_16 in 0 : vector<64x192xf32>, vector<1x192xf32>, vector<7x192xf32> -> vector<72x192xf32>
    %get3A_18 = arith.constant 0 : index
    %get3A_19 = arith.constant 0 : index
    %get3A_20 = arith.constant 0 : index
    %get3A_21 = vector.load %arg2[%get3A_18, %get3A_19, %get3A_20] : memref<96x48x384xf32, #tpu.memory_space<vmem>>, vector<96x48x384xf32>
    %convert_element_type3A_22 = arith.truncf %get3A_21 : vector<96x48x384xf32> to vector<96x48x384xbf16>
    %reshape3A = vector.shape_cast %convert_element_type3A_22 : vector<96x48x384xbf16> to vector<96x18432xbf16>
    %mul3A_23 = arith.mulf %reshape3A, %reshape3A : vector<96x18432xbf16>
    %concatenate3A_24 = tpu.concatenate %reshape3A, %mul3A_23 in 0 : vector<96x18432xbf16>, vector<96x18432xbf16> -> vector<192x18432xbf16>
    %convert_element_type3A_25 = arith.truncf %concatenate3A_17 : vector<72x192xf32> to vector<72x192xbf16>
    %dot_general3A = arith.constant dense<0.000000e+00> : vector<72x18432xf32>
    %dot_general3A_26 = tpu.matmul %convert_element_type3A_25, %concatenate3A_24, %dot_general3A {dimension_numbers = #tpu.dot_dimension_numbers<[1], [0], [0], [1], [0, 0, 1, 1], [], []>, transpose_lhs_hint = false} : vector<72x192xbf16>, vector<192x18432xbf16>, vector<72x18432xf32> -> vector<72x18432xf32>
    %slice3A = vector.extract_strided_slice %dot_general3A_26 {offsets = [0, 0], sizes = [64, 18432], strides = [1, 1]} : vector<72x18432xf32> to vector<64x18432xf32>
    %slice3A_27 = vector.extract_strided_slice %dot_general3A_26 {offsets = [64, 0], sizes = [1, 18432], strides = [1, 1]} : vector<72x18432xf32> to vector<1x18432xf32>
    %add3A = vector.broadcast %broadcast_in_dim3A : vector<64x1xf32> to vector<64x18432xf32>
    %add3A_28 = vector.broadcast %slice3A_27 : vector<1x18432xf32> to vector<64x18432xf32>
    %add3A_29 = arith.addf %add3A, %add3A_28 : vector<64x18432xf32>
    %add3A_30 = arith.addf %slice3A, %add3A_29 : vector<64x18432xf32>
    %get3A_31 = arith.constant 0 : index
    %get3A_32 = arith.constant 0 : index
    %get3A_33 = vector.load %arg4[%get3A_31, %get3A_32] : memref<64x1024xf32, #tpu.memory_space<vmem>>, vector<64x1024xf32>
    %slice3A_34 = vector.extract_strided_slice %add3A_30 {offsets = [0, 0], sizes = [64, 1024], strides = [1, 1]} : vector<64x18432xf32> to vector<64x1024xf32>
    %min3A = arith.minimumf %get3A_33, %slice3A_34 : vector<64x1024xf32>
    %slice3A_35 = vector.extract_strided_slice %add3A_30 {offsets = [0, 1024], sizes = [64, 1024], strides = [1, 1]} : vector<64x18432xf32> to vector<64x1024xf32>
    %min3A_36 = arith.minimumf %min3A, %slice3A_35 : vector<64x1024xf32>
    %slice3A_37 = vector.extract_strided_slice %add3A_30 {offsets = [0, 2048], sizes = [64, 1024], strides = [1, 1]} : vector<64x18432xf32> to vector<64x1024xf32>
    %min3A_38 = arith.minimumf %min3A_36, %slice3A_37 : vector<64x1024xf32>
    %slice3A_39 = vector.extract_strided_slice %add3A_30 {offsets = [0, 3072], sizes = [64, 1024], strides = [1, 1]} : vector<64x18432xf32> to vector<64x1024xf32>
    %min3A_40 = arith.minimumf %min3A_38, %slice3A_39 : vector<64x1024xf32>
    %slice3A_41 = vector.extract_strided_slice %add3A_30 {offsets = [0, 4096], sizes = [64, 1024], strides = [1, 1]} : vector<64x18432xf32> to vector<64x1024xf32>
    %min3A_42 = arith.minimumf %min3A_40, %slice3A_41 : vector<64x1024xf32>
    %slice3A_43 = vector.extract_strided_slice %add3A_30 {offsets = [0, 5120], sizes = [64, 1024], strides = [1, 1]} : vector<64x18432xf32> to vector<64x1024xf32>
    %min3A_44 = arith.minimumf %min3A_42, %slice3A_43 : vector<64x1024xf32>
    %slice3A_45 = vector.extract_strided_slice %add3A_30 {offsets = [0, 6144], sizes = [64, 1024], strides = [1, 1]} : vector<64x18432xf32> to vector<64x1024xf32>
    %min3A_46 = arith.minimumf %min3A_44, %slice3A_45 : vector<64x1024xf32>
    %slice3A_47 = vector.extract_strided_slice %add3A_30 {offsets = [0, 7168], sizes = [64, 1024], strides = [1, 1]} : vector<64x18432xf32> to vector<64x1024xf32>
    %min3A_48 = arith.minimumf %min3A_46, %slice3A_47 : vector<64x1024xf32>
    %slice3A_49 = vector.extract_strided_slice %add3A_30 {offsets = [0, 8192], sizes = [64, 1024], strides = [1, 1]} : vector<64x18432xf32> to vector<64x1024xf32>
    %min3A_50 = arith.minimumf %min3A_48, %slice3A_49 : vector<64x1024xf32>
    %slice3A_51 = vector.extract_strided_slice %add3A_30 {offsets = [0, 9216], sizes = [64, 1024], strides = [1, 1]} : vector<64x18432xf32> to vector<64x1024xf32>
    %min3A_52 = arith.minimumf %min3A_50, %slice3A_51 : vector<64x1024xf32>
    %slice3A_53 = vector.extract_strided_slice %add3A_30 {offsets = [0, 10240], sizes = [64, 1024], strides = [1, 1]} : vector<64x18432xf32> to vector<64x1024xf32>
    %min3A_54 = arith.minimumf %min3A_52, %slice3A_53 : vector<64x1024xf32>
    %slice3A_55 = vector.extract_strided_slice %add3A_30 {offsets = [0, 11264], sizes = [64, 1024], strides = [1, 1]} : vector<64x18432xf32> to vector<64x1024xf32>
    %min3A_56 = arith.minimumf %min3A_54, %slice3A_55 : vector<64x1024xf32>
    %slice3A_57 = vector.extract_strided_slice %add3A_30 {offsets = [0, 12288], sizes = [64, 1024], strides = [1, 1]} : vector<64x18432xf32> to vector<64x1024xf32>
    %min3A_58 = arith.minimumf %min3A_56, %slice3A_57 : vector<64x1024xf32>
    %slice3A_59 = vector.extract_strided_slice %add3A_30 {offsets = [0, 13312], sizes = [64, 1024], strides = [1, 1]} : vector<64x18432xf32> to vector<64x1024xf32>
    %min3A_60 = arith.minimumf %min3A_58, %slice3A_59 : vector<64x1024xf32>
    %slice3A_61 = vector.extract_strided_slice %add3A_30 {offsets = [0, 14336], sizes = [64, 1024], strides = [1, 1]} : vector<64x18432xf32> to vector<64x1024xf32>
    %min3A_62 = arith.minimumf %min3A_60, %slice3A_61 : vector<64x1024xf32>
    %slice3A_63 = vector.extract_strided_slice %add3A_30 {offsets = [0, 15360], sizes = [64, 1024], strides = [1, 1]} : vector<64x18432xf32> to vector<64x1024xf32>
    %min3A_64 = arith.minimumf %min3A_62, %slice3A_63 : vector<64x1024xf32>
    %slice3A_65 = vector.extract_strided_slice %add3A_30 {offsets = [0, 16384], sizes = [64, 1024], strides = [1, 1]} : vector<64x18432xf32> to vector<64x1024xf32>
    %min3A_66 = arith.minimumf %min3A_64, %slice3A_65 : vector<64x1024xf32>
    %slice3A_67 = vector.extract_strided_slice %add3A_30 {offsets = [0, 17408], sizes = [64, 1024], strides = [1, 1]} : vector<64x18432xf32> to vector<64x1024xf32>
    %min3A_68 = arith.minimumf %min3A_66, %slice3A_67 : vector<64x1024xf32>
    %swap3A = arith.constant 0 : index
    %swap3A_69 = arith.constant 0 : index
    %swap3A_70 = vector.load %arg4[%swap3A, %swap3A_69] : memref<64x1024xf32, #tpu.memory_space<vmem>>, vector<64x1024xf32>
    tpu.vector_store %arg4[%swap3A, %swap3A_69], %min3A_68 {strides = array<i32>} : memref<64x1024xf32, #tpu.memory_space<vmem>>, vector<64x1024xf32>,
    %eq3A_71 = arith.constant 7 : i32
    %eq3A_72 = arith.cmpi eq, %arg0, %eq3A_71 : i32
    %convert_element_type3A_73 = arith.extui %eq3A_72 : i1 to i32
    %cond3A_74 = arith.constant 0 : i32
    %cond3A_75 = arith.cmpi ne, %convert_element_type3A_73, %cond3A_74 : i32
    scf.if %cond3A_75 {
      %broadcast_in_dim3A_76 = arith.constant 0.000000e+00 : f32
      %broadcast_in_dim3A_77 = vector.broadcast %broadcast_in_dim3A_76 : f32 to vector<64x1xf32>
      %reduce_min3A = arith.constant dense<0x7F800000> : vector<64xf32>
      %reduce_min3A_78 = vector.multi_reduction <minimumf>, %min3A_68, %reduce_min3A [1] : vector<64x1024xf32> to vector<64xf32>
      %broadcast_in_dim3A_79 = vector.shape_cast %reduce_min3A_78 : vector<64xf32> to vector<64x1xf32>
      %add3A_80 = arith.addf %broadcast_in_dim3A_77, %broadcast_in_dim3A_79 : vector<64x1xf32>
      %eq3A_81 = vector.broadcast %broadcast_in_dim3A_79 : vector<64x1xf32> to vector<64x1024xf32>
      %eq3A_82 = arith.cmpf oeq, %min3A_68, %eq3A_81 : vector<64x1024xf32>
      %jit3A = arith.constant 0x7F800000 : f32
      %broadcast_in_dim3A_83 = vector.broadcast %jit3A : f32 to vector<64x1024xf32>
      %select_n3A = arith.select %eq3A_82, %broadcast_in_dim3A_83, %min3A_68 : vector<64x1024xi1>, vector<64x1024xf32>
      %reduce_min3A_84 = arith.constant dense<0x7F800000> : vector<64xf32>
      %reduce_min3A_85 = vector.multi_reduction <minimumf>, %select_n3A, %reduce_min3A_84 [1] : vector<64x1024xf32> to vector<64xf32>
      %broadcast_in_dim3A_86 = vector.shape_cast %reduce_min3A_85 : vector<64xf32> to vector<64x1xf32>
      %add3A_87 = arith.addf %add3A_80, %broadcast_in_dim3A_86 : vector<64x1xf32>
      %eq3A_88 = vector.broadcast %broadcast_in_dim3A_86 : vector<64x1xf32> to vector<64x1024xf32>
      %eq3A_89 = arith.cmpf oeq, %select_n3A, %eq3A_88 : vector<64x1024xf32>
      %jit3A_90 = arith.constant 0x7F800000 : f32
      %broadcast_in_dim3A_91 = vector.broadcast %jit3A_90 : f32 to vector<64x1024xf32>
      %select_n3A_92 = arith.select %eq3A_89, %broadcast_in_dim3A_91, %select_n3A : vector<64x1024xi1>, vector<64x1024xf32>
      %reduce_min3A_93 = arith.constant dense<0x7F800000> : vector<64xf32>
      %reduce_min3A_94 = vector.multi_reduction <minimumf>, %select_n3A_92, %reduce_min3A_93 [1] : vector<64x1024xf32> to vector<64xf32>
      %broadcast_in_dim3A_95 = vector.shape_cast %reduce_min3A_94 : vector<64xf32> to vector<64x1xf32>
      %add3A_96 = arith.addf %add3A_87, %broadcast_in_dim3A_95 : vector<64x1xf32>
      %eq3A_97 = vector.broadcast %broadcast_in_dim3A_95 : vector<64x1xf32> to vector<64x1024xf32>
      %eq3A_98 = arith.cmpf oeq, %select_n3A_92, %eq3A_97 : vector<64x1024xf32>
      %jit3A_99 = arith.constant 0x7F800000 : f32
      %broadcast_in_dim3A_100 = vector.broadcast %jit3A_99 : f32 to vector<64x1024xf32>
      %select_n3A_101 = arith.select %eq3A_98, %broadcast_in_dim3A_100, %select_n3A_92 : vector<64x1024xi1>, vector<64x1024xf32>
      %reduce_min3A_102 = arith.constant dense<0x7F800000> : vector<64xf32>
      %reduce_min3A_103 = vector.multi_reduction <minimumf>, %select_n3A_101, %reduce_min3A_102 [1] : vector<64x1024xf32> to vector<64xf32>
      %broadcast_in_dim3A_104 = vector.shape_cast %reduce_min3A_103 : vector<64xf32> to vector<64x1xf32>
      %add3A_105 = arith.addf %add3A_96, %broadcast_in_dim3A_104 : vector<64x1xf32>
      %eq3A_106 = vector.broadcast %broadcast_in_dim3A_104 : vector<64x1xf32> to vector<64x1024xf32>
      %eq3A_107 = arith.cmpf oeq, %select_n3A_101, %eq3A_106 : vector<64x1024xf32>
      %jit3A_108 = arith.constant 0x7F800000 : f32
      %broadcast_in_dim3A_109 = vector.broadcast %jit3A_108 : f32 to vector<64x1024xf32>
      %select_n3A_110 = arith.select %eq3A_107, %broadcast_in_dim3A_109, %select_n3A_101 : vector<64x1024xi1>, vector<64x1024xf32>
      %reduce_min3A_111 = arith.constant dense<0x7F800000> : vector<64xf32>
      %reduce_min3A_112 = vector.multi_reduction <minimumf>, %select_n3A_110, %reduce_min3A_111 [1] : vector<64x1024xf32> to vector<64xf32>
      %broadcast_in_dim3A_113 = vector.shape_cast %reduce_min3A_112 : vector<64xf32> to vector<64x1xf32>
      %add3A_114 = arith.addf %add3A_105, %broadcast_in_dim3A_113 : vector<64x1xf32>
      %div3A = arith.constant 3.200000e+02 : f32
      %div3A_115 = vector.broadcast %div3A : f32 to vector<64x1xf32>
      %div3A_116 = arith.divf %add3A_114, %div3A_115 : vector<64x1xf32>
      %reduce_sum3A_117 = arith.constant dense<0.000000e+00> : vector<1xf32>
      %reduce_sum3A_118 = vector.multi_reduction <add>, %div3A_116, %reduce_sum3A_117 [0] : vector<64x1xf32> to vector<1xf32>
      %broadcast_in_dim3A_119 = vector.shape_cast %reduce_sum3A_118 : vector<1xf32> to vector<1x1xf32>
      %swap3A_120 = arith.constant 0 : index
      %swap3A_121 = arith.constant 0 : index
      %swap3A_122 = vector.load %arg3[%swap3A_120, %swap3A_121] : memref<1x1xf32, #tpu.memory_space<vmem>>, vector<1x1xf32>
      tpu.vector_store %arg3[%swap3A_120, %swap3A_121], %broadcast_in_dim3A_119 {strides = array<i32>} : memref<1x1xf32, #tpu.memory_space<vmem>>, vector<1x1xf32>,
    } else {
    }
    return
  }
  func.func @transform_0(%arg0: i32) -> (i32, i32) {
    %c0_i32 = arith.constant 0 : i32
    %c0_i32_0 = arith.constant 0 : i32
    %c0_i32_1 = arith.constant 0 : i32
    return %c0_i32, %c0_i32_0 : i32, i32
  }
  func.func @transform_1(%arg0: i32) -> (i32, i32, i32) {
    %c0_i32 = arith.constant 0 : i32
    %c0_i32_0 = arith.constant 0 : i32
    %c0_i32_1 = arith.constant 0 : i32
    return %c0_i32, %arg0, %c0_i32_0 : i32, i32, i32
  }
  func.func @transform_2(%arg0: i32) -> (i32, i32) {
    %c0_i32 = arith.constant 0 : i32
    %c0_i32_0 = arith.constant 0 : i32
    %c0_i32_1 = arith.constant 0 : i32
    return %c0_i32, %c0_i32_0 : i32, i32
  }
}

</mosaic_0001>

<sc_bundles>
// kernel: kernel.4.cloned.1.call-start
scs
__scs_entry_jumppad:
0x0: {  	(pc) =	sbr.rel $0x88, $3  }
0x1: {  	(tag) =	ssettag $0x0;
	lr =	simm.s32 $0x1  }
0x2: {  	[smem:$0x3F9E] =	sst lr;
	_ =	strace $0xD0000000  }
0x3: {  	_ = 	snop  }
0x4: {  	_ = 	snop  }
0x5: {  	_ = 	snop  }
0x6: {  	_ = 	snop  }
0x7: {  	_ = 	snop  }
__scs_overlays_trampoline_lowered:
0x8: {  	[smem:$0x3FAD] =	sst s0  }
0x9: {  	[smem:$0x3FAE] =	sst s1  }
0xa: {  	[smem:$0x3FAF] =	sst s2  }
0xb: {  	[smem:$0x3FB0] =	sst s3  }
0xc: {  	[smem:$0x3FB1] =	sst s4  }
0xd: {  	[smem:$0x3FB2] =	sst s5  }
0xe: {  	[smem:$0x3FB3] =	sst s6  }
0xf: {  	[smem:$0x3FB4] =	sst s7  }
0x10: {  	[smem:$0x3FB5] =	sst s8  }
0x11: {  	[smem:$0x3FB6] =	sst s9;
	s0 =	simm.s32 @!p0 $0x0  }
0x12: {  	s1 =	sld [smem:$0x3F9C];
	s0 =	simm.s32 @p0 $0x1  }
0x13: {  	[smem:$0x3FB7] =	sst s0;
	s0 =	simm.s32 @!p1 $0x0  }
0x14: {  	s2 =	sld [smem:$0x3F9B];
	s0 =	simm.s32 @p1 $0x1  }
0x15: {  	[smem:$0x3FB8] =	sst s0;
	s0 =	simm.s32 @!p2 $0x0  }
0x16: {  	s3 =	sld [smem:$0x3FDB];
	s0 =	simm.s32 @p2 $0x1  }
0x17: {  	s4 =	simm.s32 $0x1BF5;
	[smem:$0x3FBA] =	sst s0  }
0x18: {  	s0 =	sld [smem:$0x3F9D];
	_ =	swait.ge [sflag:s4], $0x0  }
0x19: {  	s7 =	sld [smem:$0x3F9E]  }
0x1a: {  	s8 =	sadd.s32 $0xFFFFE003, lr  }
0x1b: {  	s9 =	sadd.s32 $0xFFFFFEF7, lr;
	s5 =	simm.s32 $0xFFFFFFFF;
	p2 =	slt.u32 s8, $0xFFFFF086  }
0x1c: {  	p1 =	slt.u32 s9, $0xF7A;
	s5 =	simm.s32 @!p2 $0x0  }
0x1d: {  	s5 =	simm.s32 @p1 $0x1;
	p0 =	seq.s32 s7, s2  }
0x1e: {  	s7 =	smul.u32 @!p0 $0xF7A, s2;
	p2 =	seq.s32 @!p0 s5, $0x0  }
0x1f: {  	s9 =	smul.u32 $0xF7A, s1;
	s8 =	simm.s32 @!p0 $0x1BF5;
	p2 =	por !p2, p0  }
0x20: {  	[sflag:s8] =	ssyncset.s32 @!p0 $0xFFFFF086;
	s6 =	sadd.s32 @!p0 s3, s7;
	s7 =	simm.s32 @!p0 $0x108  }
0x21: {  	s3 =	sadd.s32 s3, s9;
	s6 =	sadd.s32 @!p0 $0x88, s6;
	s7 =	simm.s32 @p2 $0x1082  }
0x22: {  	[simem:s7], [sflag:s8] =	dma.local @!p0 [hbm:s6], $0xF7A  }
0x23: {  	s9 =	sor.u32 $0xD0000000, s2;
	s6 =	simm.s32 $0x108;
	_ =	swait.ge @!p0 [sflag:s8], $0x0  }
0x24: {  	s3 =	sadd.s32 $0x88, s3;
	s6 =	simm.s32 @!p1 $0x1082;
	[sflag:s4] =	ssyncset.s32 $0xFFFFF086  }
0x25: {  	[simem:s6], [sflag:s4] =	dma.local [hbm:s3], $0xF7A  }
0x26: {  	[smem:$0x3F9E] =	sst s1;
	(tag) =	ssettag s2;
	_ =	strace s9  }
0x27: {  	s1 =	sld [smem:$0x3FAE]  }
0x28: {  	s2 =	sld [smem:$0x3FAF]  }
0x29: {  	s4 =	sld [smem:$0x3FB1]  }
0x2a: {  	p0 =	seq.s32 s5, $0x0;
	s5 =	sld [smem:$0x3FB2]  }
0x2b: {  	s6 =	sld [smem:$0x3FB3]  }
0x2c: {  	s7 =	sld [smem:$0x3FB4]  }
0x2d: {  	s3 =	simm.s32 $0x108;
	s8 =	sld [smem:$0x3FB5]  }
0x2e: {  	s3 =	simm.s32 @!p0 $0x1082;
	s9 =	sld [smem:$0x3FB6]  }
0x2f: {  	lr =	sadd.s32 s0, s3;
	s0 =	sld [smem:$0x3FAD]  }
0x30: {  	s3 =	sld [smem:$0x3FB0]  }
0x31: {  	[smem:$0x3FB9] =	sst s10  }
0x32: {  	s10 =	sld [smem:$0x3FB7];
	_ =	sdelay $0x3  }
0x33: {  	p0 =	seq.s32 s10, $0x1;
	s10 =	sld [smem:$0x3FB9];
	_ =	sdelay $0x3  }
0x34: {  	[smem:$0x3FB9] =	sst s10  }
0x35: {  	s10 =	sld [smem:$0x3FB8];
	_ =	sdelay $0x3  }
0x36: {  	p1 =	seq.s32 s10, $0x1;
	s10 =	sld [smem:$0x3FB9];
	_ =	sdelay $0x3  }
0x37: {  	[smem:$0x3FB9] =	sst s10  }
0x38: {  	s10 =	sld [smem:$0x3FBA]  }
0x39: {  	_ = 	snop;
	(pc) =	sbr.ind lr, $3  }
0x3a: {  	_ = 	snop  }
0x3b: {  	_ = 	snop  }
0x3c: {  	p2 =	seq.s32 s10, $0x1;
	s10 =	sld [smem:$0x3FB9]  }
0x3d: {  	_ =	shalt  }
0x3e: {  	_ =	shalt  }
0x3f: {  	_ =	shalt  }
0x40: {  	_ =	shalt  }
0x41: {  	_ =	shalt  }
0x42: {  	_ =	shalt  }
0x43: {  	_ =	shalt  }
0x44: {  	_ =	shalt  }
0x45: {  	_ =	shalt  }
0x46: {  	_ =	shalt  }
0x47: {  	_ =	shalt  }
0x48: {  	_ =	shalt  }
0x49: {  	_ =	shalt  }
0x4a: {  	_ =	shalt  }
0x4b: {  	_ =	shalt  }
0x4c: {  	_ =	shalt  }
0x4d: {  	_ =	shalt  }
0x4e: {  	_ =	shalt  }
0x4f: {  	_ =	shalt  }
0x50: {  	_ =	shalt  }
0x51: {  	_ =	shalt  }
0x52: {  	_ =	shalt  }
0x53: {  	_ =	shalt  }
0x54: {  	_ =	shalt  }
0x55: {  	_ =	shalt  }
0x56: {  	_ =	shalt  }
0x57: {  	_ =	shalt  }
0x58: {  	_ =	shalt  }
0x59: {  	_ =	shalt  }
0x5a: {  	_ =	shalt  }
0x5b: {  	_ =	shalt  }
0x5c: {  	_ =	shalt  }
0x5d: {  	_ =	shalt  }
0x5e: {  	_ =	shalt  }
0x5f: {  	_ =	shalt  }
0x60: {  	_ =	shalt  }
0x61: {  	_ =	shalt  }
0x62: {  	_ =	shalt  }
0x63: {  	_ =	shalt  }
0x64: {  	_ =	shalt  }
0x65: {  	_ =	shalt  }
0x66: {  	_ =	shalt  }
0x67: {  	_ =	shalt  }
0x68: {  	_ =	shalt  }
0x69: {  	_ =	shalt  }
0x6a: {  	_ =	shalt  }
0x6b: {  	_ =	shalt  }
0x6c: {  	_ =	shalt  }
0x6d: {  	_ =	shalt  }
0x6e: {  	_ =	shalt  }
0x6f: {  	_ =	shalt  }
0x70: {  	_ =	shalt  }
0x71: {  	_ =	shalt  }
0x72: {  	_ =	shalt  }
0x73: {  	_ =	shalt  }
0x74: {  	_ =	shalt  }
0x75: {  	_ =	shalt  }
0x76: {  	_ =	shalt  }
0x77: {  	_ =	shalt  }
0x78: {  	_ =	shalt  }
0x79: {  	_ =	shalt  }
0x7a: {  	_ =	shalt  }
0x7b: {  	_ =	shalt  }
0x7c: {  	_ =	shalt  }
0x7d: {  	_ =	shalt  }
0x7e: {  	_ =	shalt  }
0x7f: {  	_ =	shalt  }
0x80: {  	_ =	shalt  }
0x81: {  	_ =	shalt  }
0x82: {  	_ =	shalt  }
0x83: {  	_ =	shalt  }
0x84: {  	_ =	shalt  }
0x85: {  	_ =	shalt  }
0x86: {  	_ =	shalt  }
0x87: {  	_ =	shalt  }
.Lfunc_end0:
.L_simem_size_0:
called_computation_lowered:
.L_overlay_start_0:
0x88: {  	s2 =	sld [smem:$0x3FD9]  }
0x89: {  	s3 =	sld [smem:$0x3FFE];
	_ =	sdelay $0x1  }
0x8a: {  	s1 =	srdreg.scid  }
0x8b: {  	s0 =	sand.u32 $0x1, s1  }
0x8c: {  	s17 =	sshll.u32 s0, $0xA;
	s2 =	sadd.s32 s3, s2  }
0x8d: {  	s2 =	sadd.s32 s2, s17  }
0x8e: {  	[smem:$0x3FC5] =	sst s2  }
0x8f: {  	_ = 	snop  }
0x90: {  	s2 =	sld [smem:$0x3FC9];
	(tm) =	ssettm $0x1  }
0x91: {  	s18 =	sld [smem:$0x3FFB];
	_ =	sdelay $0x3  }
0x92: {  	_ =	strace s18  }
0x93: {  	s3 =	sld [smem:$0x3FFC];
	_ =	sdelay $0x3  }
0x94: {  	_ =	strace s3  }
0x95: {  	s3 =	sld [smem:$0x3FFD];
	_ =	sdelay $0x3  }
0x96: {  	_ =	strace s3  }
0x97: {  	_ =	strace $0x8FFFFFFF  }
0x98: {  	s19 =	sld [smem:$0x3FDB];
	_ =	sdelay $0x1  }
0x99: {  	s4 =	simm.s32 $_scs_section_size  }
0x9a: {  	s5 =	simm.s32 $_size__tile_overlayer_lowered;
	s6 =	simm.s32 $_tile_overlayer_lowered  }
0x9b: {  	s22 =	simm.s32 $0x1BFF;
	s21 =	sshll.u32 s6, $0x1;
	s3 =	sadd.s32 s4, s19  }
0x9c: {  	s7 =	simm.s32 $0x0;
	s20 =	sshll.u32 s5, $0x1;
	s5 =	sadd.s32 s21, s3  }
0x9d: {  	[timem:s7], [sflag:s22] =	dma.local [hbm:s5], s20  }
0x9e: {  	_ =	swait.ge [sflag:s22], s20  }
0x9f: {  	s4 =	ssub.s32 $0x0, s20;
	[sflag:s22] =	ssyncset.done $0x0  }
0xa0: {  	[sflag:s22] =	ssyncadd.s32 s4;
	_ =	sdelay $0x1  }
0xa1: {  	s23 =	simm.s32 $0x1B8B  }
0xa2: {  	_ =	swait.ge [sflag:s23], $0x1  }
0xa3: {  	[sflag:s23] =	ssyncset.done $0x0  }
0xa4: {  	s25 =	simm.s32 $0x1B8E;
	s24 =	sld [smem:$0x3FFE];
	[sflag:s23] =	ssyncadd.s32 $0xFFFFFFFF  }
0xa5: {  	s26 =	simm.s32 $execute0_lowered;
	[smem:$0x3FD2] =	sst s25  }
0xa6: {  	s5 =	sshll.u32 s26, $0x1;
	_ =	strace $0x80000046;
	[dreg:$0x1] =	wrdreg $0xFFFFFFFF  }
0xa7: {  	s28 =	simm.s32 $_size_execute0_lowered;
	s3 =	sadd.s32 s3, s5;
	[dreg:$0x0] =	wrdreg $0x0  }
0xa8: {  	s5 =	sshll.u32 s28, $0x1;
	[dreg:$0x2] =	wrdreg s3  }
0xa9: {  	[dreg:$0x3] =	wrdreg s5  }
0xaa: {  	[dreg:$0x4] =	wrdreg $0xC0  }
0xab: {  	_ =	task [dreg:s7], $0x5FFFF  }
0xac: {  	[dreg:$0x1] =	wrdreg $0xFFFFFFFF  }
0xad: {  	[dreg:$0x0] =	wrdreg $0x60  }
0xae: {  	[dreg:$0x2] =	wrdreg s2  }
0xaf: {  	[dreg:$0x3] =	wrdreg s24  }
0xb0: {  	[dreg:$0x4] =	wrdreg $0x9  }
0xb1: {  	_ =	task.clear_ibuf [dreg:s7], $0x5FFFF;
	_ =	strace $0x90000046  }
0xb2: {  	s29 =	simm.s32 $0x9;
	_ =	strace $0x80000048  }
0xb3: {  	_ =	swait.ge [sflag:s29], $0x1  }
0xb4: {  	[sflag:s29] =	ssyncadd.s32 $0xFFFFFFFF  }
0xb5: {  	_ =	strace $0x90000048  }
0xb6: {  	_ =	sfence  }
0xb7: {  	s30 =	sld [smem:$0x0];
	_ =	sdelay $0x2  }
0xb8: {  	s31 =	sshll.u32 s1, $0xD;
	s1 =	sshrl.u32 s1, $0x2  }
0xb9: {  	s3 =	sand.u32 $0x4000, s31;
	s1 =	sadd.s32 s1, s30  }
0xba: {  	s0 =	sor.u32 s3, s0;
	s1 =	sshll.u32 s1, $0x11  }
0xbb: {  	s0 =	sor.u32 s1, s0  }
0xbc: {  	s0 =	sadd.s32 $0x8F2B, s0  }
0xbd: {  	[sflag:s0] =	ssyncadd.remote.s32 $0x1  }
0xbe: {  	_ =	sfence.sel $0xFFFF  }
0xbf: {  	[dreg:$0x0] =	wrdreg $0xFFFFFFFF;
	(pc) =	sbr.abs _section_cstart, $3  }
0xc0: {  	[dreg:$0x1] =	wrdreg $0xFFFFFFFF  }
0xc1: {  	_ =	task.clear_ibuf [dreg:s7], $0x2FFFF;
	_ =	strace $0x9FFFFFFF  }
0xc2: {  	(tm) =	ssettm $0x7FFFFFFF  }
0xc3: {  	_ =	shalt  }
tec
execute0_lowered:
.L_overlay_start_1:
0x0: {  	(tag) =	ssettag $0x1  }
0x1: {  	s2 =	rddreg [dreg:$0x0];
	v0 =	vimm.s32 $0xF80  }
0x2: {  	s4 =	rddreg [dreg:$0x1];
	s3 =	simm.s32 $0x0;
	vm6 =	vcmask $0x300;
	vm4 =	vcmask $0x704;
	vm5 =	vcmask $0xB08  }
0x3: {  	vm3 =	vcmask $0xF0C;
	vm2 =	vcmask $0x1310;
	s20 =	simm.s32 $0x80;
	vm1 =	vcmask $0x1714;
	[smem:$0x7FF] =	sst s3  }
0x4: {  	s21 =	simm.s32 $0x100;
	vm0 =	vcmask $0x1B18;
	v1 =	vimm.s32 $0x2780;
	v2 =	vimm.s32 $0x3F80;
	_ =	strace $0x80000047;
	[dreg:$0x9] =	wrdreg s20  }
0x5: {  	s22 =	simm.s32 $0x180;
	v3 =	vimm.s32 $0x5780;
	v4 =	vimm.s32 $0x6F80;
	v5 =	vimm.s32 $0x8780;
	[dreg:$0xa] =	wrdreg s21  }
0x6: {  	s0 =	srdreg.scid;
	s23 =	simm.s32 $0xA00;
	vm15 =	vcmask $0x1F1C;
	v8 =	vlaneseq.u32;
	v0 =	vsel vm6, $0x0, v0;
	[dreg:$0xb] =	wrdreg s22  }
0x7: {  	s1 =	stileid.u32;
	s24 =	simm.s32 $0xE00;
	v1 =	vsel vm6, $0x1800, v1;
	v2 =	vsel vm6, $0x3000, v2;
	v3 =	vsel vm6, $0x4800, v3;
	[dreg:$0xc] =	wrdreg s23  }
0x8: {  	s25 =	simm.s32 $0x1600;
	s26 =	simm.s32 $0x1A00;
	v4 =	vsel vm6, $0x6000, v4;
	v5 =	vsel vm6, $0x7800, v5;
	v6 =	vshrl.u32 v8, $0x3;
	[dreg:$0xd] =	wrdreg s24  }
0x9: {  	s10 =	simm.s32 $0x4600;
	s11 =	simm.s32 $0x4A00;
	v0 =	vsel vm4, $0x80, v0;
	[dreg:$0xe] =	wrdreg s25;
	v1 =	vsel vm4, $0x1880, v1;
	v2 =	vsel vm4, $0x3080, v2  }
0xa: {  	s5 =	sshll.u32 s1, $0x6;
	s1 =	simm.s32 $0x2200;
	v3 =	vsel vm4, $0x4880, v3;
	[dreg:$0xf] =	wrdreg s26;
	v4 =	vsel vm4, $0x6080, v4;
	v5 =	vsel vm4, $0x7880, v5  }
0xb: {  	s12 =	simm.s32 $0x5200;
	s13 =	simm.s32 $0x5600;
	[dreg:$0x10] =	wrdreg s1;
	v0 =	vsel vm5, $0x100, v0;
	v1 =	vsel vm5, $0x1900, v1;
	v2 =	vsel vm5, $0x3100, v2  }
0xc: {  	s14 =	simm.s32 $0x5E00;
	s15 =	simm.s32 $0x6200;
	[dreg:$0x16] =	wrdreg s10;
	v3 =	vsel vm5, $0x4900, v3;
	v4 =	vsel vm5, $0x6100, v4;
	v5 =	vsel vm5, $0x7900, v5  }
0xd: {  	s16 =	simm.s32 $0x6A00;
	s28 =	simm.s32 $0x11600;
	[dreg:$0x17] =	wrdreg s11;
	v0 =	vsel vm3, $0x180, v0;
	v1 =	vsel vm3, $0x1980, v1;
	v2 =	vsel vm3, $0x3180, v2  }
0xe: {  	s29 =	simm.s32 $0x11E00;
	s30 =	simm.s32 $0x1;
	[dreg:$0x18] =	wrdreg s12;
	v3 =	vsel vm3, $0x4980, v3;
	v4 =	vsel vm3, $0x6180, v4;
	v5 =	vsel vm3, $0x7980, v5  }
0xf: {  	s31 =	simm.s32 $0x12200;
	s0 =	sand.u32 $0x1, s0;
	[dreg:$0x19] =	wrdreg s13;
	vm3 =	vcmask $0x2320;
	v0 =	vsel vm2, $0x200, v0;
	v1 =	vsel vm2, $0x1A00, v1  }
0x10: {  	s7 =	sadd.s32 $0x800, s4;
	s9 =	sadd.s32 $0xC00, s4;
	[dreg:$0x1a] =	wrdreg s14;
	v2 =	vsel vm2, $0x3200, v2;
	v3 =	vsel vm2, $0x4A00, v3;
	v4 =	vsel vm2, $0x6200, v4  }
0x11: {  	s4 =	sadd.s32 $0x1000, s4;
	s6 =	sshll.u32 s0, $0x5;
	[dreg:$0x1b] =	wrdreg s15;
	v5 =	vsel vm2, $0x7A00, v5;
	vm2 =	vcmask $0x2B28;
	v0 =	vsel vm1, $0x280, v0  }
0x12: {  	[dreg:$0x1c] =	wrdreg s16;
	s0 =	ssub.s32 $0x2, s0;
	s20 =	simm.s32 $0x7A00;
	v1 =	vsel vm1, $0x1A80, v1;
	v2 =	vsel vm1, $0x3280, v2;
	v3 =	vsel vm1, $0x4A80, v3  }
0x13: {  	s21 =	simm.s32 $0x8200;
	s22 =	simm.s32 $0x8600;
	[dreg:$0x1f] =	wrdreg s20;
	v4 =	vsel vm1, $0x6280, v4;
	v5 =	vsel vm1, $0x7A80, v5;
	vm1 =	vcmask $0x2724  }
0x14: {  	s23 =	simm.s32 $0x8E00;
	s24 =	simm.s32 $0x9A00;
	[smem:$0x7F8] =	sst s21;
	v0 =	vsel vm0, $0x300, v0;
	v1 =	vsel vm0, $0x1B00, v1;
	v2 =	vsel vm0, $0x3300, v2  }
0x15: {  	s25 =	simm.s32 $0x9E00;
	s26 =	simm.s32 $0xA600;
	[smem:$0x7F9] =	sst s22;
	v3 =	vsel vm0, $0x4B00, v3;
	v4 =	vsel vm0, $0x6300, v4;
	v5 =	vsel vm0, $0x7B00, v5  }
0x16: {  	s10 =	simm.s32 $0xB200;
	s11 =	simm.s32 $0xB600;
	[smem:$0x7FA] =	sst s23;
	vm0 =	vcmask $0x2F2C;
	v0 =	vsel vm15, $0x380, v0;
	v1 =	vsel vm15, $0x1B80, v1  }
0x17: {  	s12 =	simm.s32 $0xBE00;
	s13 =	simm.s32 $0xC200;
	[smem:$0x7FB] =	sst s24;
	v2 =	vsel vm15, $0x3380, v2;
	v3 =	vsel vm15, $0x4B80, v3;
	v4 =	vsel vm15, $0x6380, v4  }
0x18: {  	s14 =	simm.s32 $0xCA00;
	s5 =	sor.u32 s6, s5;
	[smem:$0x7FC] =	sst s25;
	v5 =	vsel vm15, $0x7B80, v5;
	v0 =	vsel vm3, $0xC00, v0;
	v1 =	vsel vm3, $0x2400, v1  }
0x19: {  	s15 =	simm.s32 $0xCE00;
	[smem:$0x7FD] =	sst s26;
	s6 =	sadd.s32 s7, s5;
	v2 =	vsel vm3, $0x3C00, v2;
	v3 =	vsel vm3, $0x5400, v3;
	v4 =	vsel vm3, $0x6C00, v4  }
0x1a: {  	s16 =	simm.s32 $0xD600;
	s18 =	sadd.s32 s9, s5;
	[dreg:$0x3] =	wrdreg s6;
	v5 =	vsel vm3, $0x8400, v5;
	v0 =	vsel vm1, $0xC80, v0;
	v1 =	vsel vm1, $0x2480, v1  }
0x1b: {  	s8 =	sor.u32 $0x10, s5;
	s5 =	sadd.s32 s4, s5;
	[dreg:$0x5] =	wrdreg s18;
	v2 =	vsel vm1, $0x3C80, v2;
	v3 =	vsel vm1, $0x5480, v3;
	v4 =	vsel vm1, $0x6C80, v4  }
0x1c: {  	s20 =	simm.s32 $0xEE00;
	s17 =	sadd.s32 s7, s8;
	[dreg:$0x7] =	wrdreg s5;
	v5 =	vsel vm1, $0x8480, v5;
	vm1 =	vcmask $0x3330;
	v0 =	vsel vm2, $0xD00, v0  }
0x1d: {  	s21 =	simm.s32 $0xF200;
	s19 =	sadd.s32 s9, s8;
	[dreg:$0x4] =	wrdreg s17;
	v9 =	vsel vm2, $0x2500, v1;
	v2 =	vsel vm2, $0x3D00, v2;
	v3 =	vsel vm2, $0x5500, v3  }
0x1e: {  	s22 =	simm.s32 $0xFA00;
	s4 =	sadd.s32 s4, s8;
	[dreg:$0x6] =	wrdreg s19;
	v4 =	vsel vm2, $0x6D00, v4;
	v5 =	vsel vm2, $0x8500, v5;
	v1 =	vmul.u32 $0x8, v6  }
0x1f: {  	s23 =	simm.s32 $0xFE00;
	s5 =	simm.s32 $0x2600;
	[dreg:$0x8] =	wrdreg s4;
	v7 =	vsel vm0, $0xD80, v0;
	v0 =	vand.u32 $0x7, v8;
	v2 =	vsel vm0, $0x3D80, v2  }
0x20: {  	s24 =	simm.s32 $0x10600;
	s6 =	simm.s32 $0x2E00;
	[dreg:$0x11] =	wrdreg s5;
	v3 =	vsel vm0, $0x5580, v3;
	v4 =	vsel vm0, $0x6D80, v4;
	v5 =	vsel vm0, $0x8580, v5  }
0x21: {  	s25 =	simm.s32 $0x10A00;
	s7 =	simm.s32 $0x3200;
	[dreg:$0x12] =	wrdreg s6;
	v8 =	vor.u32 $0x8, v8;
	v6 =	vsel vm1, $0xE00, v7;
	v7 =	vsel vm0, $0x2580, v9  }
0x22: {  	s26 =	simm.s32 $0x11200;
	s8 =	simm.s32 $0x3A00;
	[dreg:$0x13] =	wrdreg s7;
	vm0 =	vcmask $0x3734;
	v2 =	vsel vm1, $0x3E00, v2;
	v3 =	vsel vm1, $0x5600, v3  }
0x23: {  	s9 =	simm.s32 $0x3E00;
	s18 =	simm.s32 $0x7600;
	[dreg:$0x14] =	wrdreg s8;
	v4 =	vsel vm1, $0x6E00, v4;
	v5 =	vsel vm1, $0x8600, v5;
	v6 =	vsel vm0, $0xE80, v6  }
0x24: {  	[dreg:$0x15] =	wrdreg s9;
	s17 =	simm.s32 $0x6E00;
	s19 =	sshrl.u32 s0, $0x1;
	v7 =	vsel vm1, $0x2600, v7;
	vm1 =	vcmask $0x3B38;
	v9 =	vsel vm0, $0x3E80, v2  }
0x25: {  	[dreg:$0x1e] =	wrdreg s18;
	s4 =	sadd.s32 $0x100, s2;
	s6 =	simm.s32 $0x2;
	v10 =	vsel vm0, $0x5680, v3;
	v11 =	vsel vm0, $0x6E80, v4;
	v12 =	vsel vm0, $0x8680, v5  }
0x26: {  	s7 =	simm.s32 $0x200;
	s8 =	simm.s32 $0x9200;
	s18 =	simm.s32 $0xE200;
	v7 =	vsel vm0, $0x2680, v7;
	vm0 =	vmmov $0xffff;
	v2 =	vsel vm1, $0xF00, v6  }
0x27: {  	[dreg:$0x1d] =	wrdreg s17;
	s0 =	ssub.s32 s0, s19;
	s17 =	simm.s32 $0xDA00;
	v4 =	vsel vm1, $0x3F00, v9;
	v5 =	vsel vm1, $0x5700, v10;
	v6 =	vsel vm1, $0x6F00, v11  }
0x28: {  	s19 =	simm.s32 $0xE600;
	s5 =	smax.u32 s0, $0x1;
	s0 =	simm.s32 $0x12280;
	v3 =	vsel vm1, $0x2700, v7;
	v7 =	vsel vm1, $0x8700, v12;
	vm1 =	vmmov $0xff  }
.LBB2_1:
0x29: {  	s1 =	rddreg [dreg:$0x3]  }
0x2a: {  	[tilespmem:s3], [sflag:$0x2] =	stream.linear.gather [hbm4b:s1+s3], $0x80, $0x38;
	[tilespmem:$0x12300] =	vst v63  }
0x2b: {  	_ =	swait.ge [sflag:s6], $0x80  }
0x2c: {  	s1 =	rddreg [dreg:$0x4];
	[sflag:s6] =	ssyncset.done $0x0  }
0x2d: {  	s9 =	rddreg [dreg:$0x9];
	[sflag:s6] =	ssyncadd.s32 $0xFFFFFF80  }
0x2e: {  	[tilespmem:s9], [sflag:$0x2] =	stream.linear.gather [hbm4b:s1+s3], $0x80, $0x38;
	[tilespmem:$0x12300] =	vst v63  }
0x2f: {  	_ =	swait.ge [sflag:s6], $0x80  }
0x30: {  	s1 =	rddreg [dreg:$0x5];
	[sflag:s6] =	ssyncset.done $0x0  }
0x31: {  	s9 =	rddreg [dreg:$0xa];
	[sflag:s6] =	ssyncadd.s32 $0xFFFFFF80  }
0x32: {  	[tilespmem:s9], [sflag:$0x2] =	stream.linear.gather [hbm4b:s1+s3], $0x80, $0x38;
	[tilespmem:$0x12300] =	vst v63  }
0x33: {  	_ =	swait.ge [sflag:s6], $0x80  }
0x34: {  	s1 =	rddreg [dreg:$0x6];
	[sflag:s6] =	ssyncset.done $0x0  }
0x35: {  	s9 =	rddreg [dreg:$0xb];
	[sflag:s6] =	ssyncadd.s32 $0xFFFFFF80  }
0x36: {  	[tilespmem:s9], [sflag:$0x2] =	stream.linear.gather [hbm4b:s1+s3], $0x80, $0x38;
	[tilespmem:$0x12300] =	vst v63  }
0x37: {  	_ =	swait.ge [sflag:s6], $0x80  }
0x38: {  	[sflag:s6] =	ssyncset.done $0x0  }
0x39: {  	[sflag:s6] =	ssyncadd.s32 $0xFFFFFF80  }
0x3a: {  	v9 =	vld [tilespmem:$0x0];
	_ =	sdelay $0x4  }
0x3b: {  	v10 =	vshrl.u32 v9, $0x3  }
0x3c: {  	v10 =	vmul.u32 $0x18, v10  }
0x3d: {  	v9 =	vand.u32 $0x7, v9  }
0x3e: {  	v9 =	vor.u32 v9, v10  }
0x3f: {  	v10 =	vperm.xlane v9, v0;
	_ =	sdelay $0x1  }
0x40: {  	v10 =	vadd.s32 v1, v10;
	_ =	sdelay $0x1  }
0x41: {  	v9 =	vperm.xlane v9, v8;
	_ =	sdelay $0x1  }
0x42: {  	v9 =	vadd.s32 v1, v9  }
0x43: {  	[tilespmem:s7], [sflag:$0x1] =	stream.indirect_vreg.gather [hbm4b:s2+s3], $0x80, v10, vm0, $0xb8;
	[tilespmem:$0x12300] =	vst v63  }
0x44: {  	s1 =	rddreg [dreg:$0xc]  }
0x45: {  	[tilespmem:s1], [sflag:$0x1] =	stream.indirect_vreg.gather [hbm4b:s4+s3], $0x80, v10, vm1, $0xb8;
	[tilespmem:$0x12300] =	vst v63  }
0x46: {  	s9 =	rddreg [dreg:$0xd]  }
0x47: {  	[tilespmem:s9], [sflag:$0x1] =	stream.indirect_vreg.gather [hbm4b:s2+s3], $0x80, v9, vm0, $0xb8;
	[tilespmem:$0x12300] =	vst v63  }
0x48: {  	s1 =	rddreg [dreg:$0xe]  }
0x49: {  	[tilespmem:s1], [sflag:$0x1] =	stream.indirect_vreg.gather [hbm4b:s4+s3], $0x80, v9, vm1, $0xb8;
	[tilespmem:$0x12300] =	vst v63  }
0x4a: {  	v9 =	vld [tilespmem:$0x10];
	_ =	sdelay $0x4  }
0x4b: {  	v10 =	vshrl.u32 v9, $0x3  }
0x4c: {  	v10 =	vmul.u32 $0x18, v10  }
0x4d: {  	v9 =	vand.u32 $0x7, v9  }
0x4e: {  	v9 =	vor.u32 v9, v10  }
0x4f: {  	v10 =	vperm.xlane v9, v0;
	_ =	sdelay $0x1  }
0x50: {  	v10 =	vadd.s32 v1, v10;
	_ =	sdelay $0x1  }
0x51: {  	v9 =	vperm.xlane v9, v8;
	_ =	sdelay $0x1  }
0x52: {  	s1 =	rddreg [dreg:$0xf];
	v9 =	vadd.s32 v1, v9  }
0x53: {  	[tilespmem:s1], [sflag:$0x1] =	stream.indirect_vreg.gather [hbm4b:s2+s3], $0x80, v10, vm0, $0xb8;
	[tilespmem:$0x12300] =	vst v63  }
0x54: {  	s9 =	rddreg [dreg:$0x10]  }
0x55: {  	[tilespmem:s9], [sflag:$0x1] =	stream.indirect_vreg.gather [hbm4b:s4+s3], $0x80, v10, vm1, $0xb8;
	[tilespmem:$0x12300] =	vst v63  }
0x56: {  	s1 =	rddreg [dreg:$0x11]  }
0x57: {  	[tilespmem:s1], [sflag:$0x1] =	stream.indirect_vreg.gather [hbm4b:s2+s3], $0x80, v9, vm0, $0xb8;
	[tilespmem:$0x12300] =	vst v63  }
0x58: {  	s9 =	rddreg [dreg:$0x12]  }
0x59: {  	[tilespmem:s9], [sflag:$0x1] =	stream.indirect_vreg.gather [hbm4b:s4+s3], $0x80, v9, vm1, $0xb8;
	[tilespmem:$0x12300] =	vst v63  }
0x5a: {  	v9 =	vld [tilespmem:$0x20];
	_ =	sdelay $0x4  }
0x5b: {  	v10 =	vshrl.u32 v9, $0x3  }
0x5c: {  	v10 =	vmul.u32 $0x18, v10  }
0x5d: {  	v9 =	vand.u32 $0x7, v9  }
0x5e: {  	v9 =	vor.u32 v9, v10  }
0x5f: {  	v10 =	vperm.xlane v9, v0;
	_ =	sdelay $0x1  }
0x60: {  	v10 =	vadd.s32 v1, v10;
	_ =	sdelay $0x1  }
0x61: {  	v9 =	vperm.xlane v9, v8;
	_ =	sdelay $0x1  }
0x62: {  	s1 =	rddreg [dreg:$0x13];
	v9 =	vadd.s32 v1, v9  }
0x63: {  	[tilespmem:s1], [sflag:$0x1] =	stream.indirect_vreg.gather [hbm4b:s2+s3], $0x80, v10, vm0, $0xb8;
	[tilespmem:$0x12300] =	vst v63  }
0x64: {  	s9 =	rddreg [dreg:$0x14]  }
0x65: {  	[tilespmem:s9], [sflag:$0x1] =	stream.indirect_vreg.gather [hbm4b:s4+s3], $0x80, v10, vm1, $0xb8;
	[tilespmem:$0x12300] =	vst v63  }
0x66: {  	s1 =	rddreg [dreg:$0x15]  }
0x67: {  	[tilespmem:s1], [sflag:$0x1] =	stream.indirect_vreg.gather [hbm4b:s2+s3], $0x80, v9, vm0, $0xb8;
	[tilespmem:$0x12300] =	vst v63  }
0x68: {  	s9 =	rddreg [dreg:$0x16]  }
0x69: {  	[tilespmem:s9], [sflag:$0x1] =	stream.indirect_vreg.gather [hbm4b:s4+s3], $0x80, v9, vm1, $0xb8;
	[tilespmem:$0x12300] =	vst v63  }
0x6a: {  	v9 =	vld [tilespmem:$0x30];
	_ =	sdelay $0x4  }
0x6b: {  	v10 =	vshrl.u32 v9, $0x3  }
0x6c: {  	v10 =	vmul.u32 $0x18, v10  }
0x6d: {  	v9 =	vand.u32 $0x7, v9  }
0x6e: {  	v9 =	vor.u32 v9, v10  }
0x6f: {  	v10 =	vperm.xlane v9, v0;
	_ =	sdelay $0x1  }
0x70: {  	v10 =	vadd.s32 v1, v10;
	_ =	sdelay $0x1  }
0x71: {  	v9 =	vperm.xlane v9, v8;
	_ =	sdelay $0x1  }
0x72: {  	s1 =	rddreg [dreg:$0x17];
	v9 =	vadd.s32 v1, v9  }
0x73: {  	[tilespmem:s1], [sflag:$0x1] =	stream.indirect_vreg.gather [hbm4b:s2+s3], $0x80, v10, vm0, $0xb8;
	[tilespmem:$0x12300] =	vst v63  }
0x74: {  	s9 =	rddreg [dreg:$0x18]  }
0x75: {  	[tilespmem:s9], [sflag:$0x1] =	stream.indirect_vreg.gather [hbm4b:s4+s3], $0x80, v10, vm1, $0xb8;
	[tilespmem:$0x12300] =	vst v63  }
0x76: {  	s1 =	rddreg [dreg:$0x19]  }
0x77: {  	[tilespmem:s1], [sflag:$0x1] =	stream.indirect_vreg.gather [hbm4b:s2+s3], $0x80, v9, vm0, $0xb8;
	[tilespmem:$0x12300] =	vst v63  }
0x78: {  	s9 =	rddreg [dreg:$0x1a]  }
0x79: {  	[tilespmem:s9], [sflag:$0x1] =	stream.indirect_vreg.gather [hbm4b:s4+s3], $0x80, v9, vm1, $0xb8;
	[tilespmem:$0x12300] =	vst v63  }
0x7a: {  	v9 =	vld [tilespmem:$0x40];
	_ =	sdelay $0x4  }
0x7b: {  	v10 =	vshrl.u32 v9, $0x3  }
0x7c: {  	v10 =	vmul.u32 $0x18, v10  }
0x7d: {  	v9 =	vand.u32 $0x7, v9  }
0x7e: {  	v9 =	vor.u32 v9, v10  }
0x7f: {  	v10 =	vperm.xlane v9, v0;
	_ =	sdelay $0x1  }
0x80: {  	v10 =	vadd.s32 v1, v10;
	_ =	sdelay $0x1  }
0x81: {  	v9 =	vperm.xlane v9, v8;
	_ =	sdelay $0x1  }
0x82: {  	s1 =	rddreg [dreg:$0x1b];
	v9 =	vadd.s32 v1, v9  }
0x83: {  	[tilespmem:s1], [sflag:$0x1] =	stream.indirect_vreg.gather [hbm4b:s2+s3], $0x80, v10, vm0, $0xb8;
	[tilespmem:$0x12300] =	vst v63  }
0x84: {  	s9 =	rddreg [dreg:$0x1c]  }
0x85: {  	[tilespmem:s9], [sflag:$0x1] =	stream.indirect_vreg.gather [hbm4b:s4+s3], $0x80, v10, vm1, $0xb8;
	[tilespmem:$0x12300] =	vst v63  }
0x86: {  	s1 =	rddreg [dreg:$0x1d]  }
0x87: {  	[tilespmem:s1], [sflag:$0x1] =	stream.indirect_vreg.gather [hbm4b:s2+s3], $0x80, v9, vm0, $0xb8;
	[tilespmem:$0x12300] =	vst v63  }
0x88: {  	s9 =	rddreg [dreg:$0x1e]  }
0x89: {  	[tilespmem:s9], [sflag:$0x1] =	stream.indirect_vreg.gather [hbm4b:s4+s3], $0x80, v9, vm1, $0xb8;
	[tilespmem:$0x12300] =	vst v63  }
0x8a: {  	v9 =	vld [tilespmem:$0x50];
	_ =	sdelay $0x4  }
0x8b: {  	v10 =	vshrl.u32 v9, $0x3  }
0x8c: {  	v10 =	vmul.u32 $0x18, v10  }
0x8d: {  	v9 =	vand.u32 $0x7, v9  }
0x8e: {  	v9 =	vor.u32 v9, v10  }
0x8f: {  	v10 =	vperm.xlane v9, v0;
	_ =	sdelay $0x1  }
0x90: {  	v10 =	vadd.s32 v1, v10;
	_ =	sdelay $0x1  }
0x91: {  	v9 =	vperm.xlane v9, v8  }
0x92: {  	s1 =	rddreg [dreg:$0x1f]  }
0x93: {  	s9 =	sld [smem:$0x7F8];
	v9 =	vadd.s32 v1, v9  }
0x94: {  	[tilespmem:s1], [sflag:$0x1] =	stream.indirect_vreg.gather [hbm4b:s2+s3], $0x80, v10, vm0, $0xb8;
	[tilespmem:$0x12300] =	vst v63  }
0x95: {  	s1 =	sld [smem:$0x7F9]  }
0x96: {  	[tilespmem:s9], [sflag:$0x1] =	stream.indirect_vreg.gather [hbm4b:s4+s3], $0x80, v10, vm1, $0xb8;
	[tilespmem:$0x12300] =	vst v63  }
0x97: {  	s9 =	sld [smem:$0x7FA]  }
0x98: {  	[tilespmem:s1], [sflag:$0x1] =	stream.indirect_vreg.gather [hbm4b:s2+s3], $0x80, v9, vm0, $0xb8;
	[tilespmem:$0x12300] =	vst v63  }
0x99: {  	_ = 	snop  }
0x9a: {  	[tilespmem:s9], [sflag:$0x1] =	stream.indirect_vreg.gather [hbm4b:s4+s3], $0x80, v9, vm1, $0xb8;
	[tilespmem:$0x12300] =	vst v63  }
0x9b: {  	v9 =	vld [tilespmem:$0x80];
	_ =	sdelay $0x4  }
0x9c: {  	v10 =	vshrl.u32 v9, $0x3  }
0x9d: {  	v10 =	vmul.u32 $0x18, v10  }
0x9e: {  	v9 =	vand.u32 $0x7, v9  }
0x9f: {  	v9 =	vor.u32 v9, v10  }
0xa0: {  	v10 =	vperm.xlane v9, v0;
	_ =	sdelay $0x1  }
0xa1: {  	v10 =	vadd.s32 v1, v10;
	_ =	sdelay $0x1  }
0xa2: {  	v9 =	vperm.xlane v9, v8;
	_ =	sdelay $0x1  }
0xa3: {  	s1 =	sld [smem:$0x7FB];
	v9 =	vadd.s32 v1, v9  }
0xa4: {  	[tilespmem:s8], [sflag:$0x1] =	stream.indirect_vreg.gather [hbm4b:s2+s3], $0x80, v10, vm0, $0xb8;
	[tilespmem:$0x12300] =	vst v63  }
0xa5: {  	s9 =	sld [smem:$0x7FC]  }
0xa6: {  	[tilespmem:s1], [sflag:$0x1] =	stream.indirect_vreg.gather [hbm4b:s4+s3], $0x80, v10, vm1, $0xb8;
	[tilespmem:$0x12300] =	vst v63  }
0xa7: {  	s1 =	sld [smem:$0x7FD]  }
0xa8: {  	[tilespmem:s9], [sflag:$0x1] =	stream.indirect_vreg.gather [hbm4b:s2+s3], $0x80, v9, vm0, $0xb8;
	[tilespmem:$0x12300] =	vst v63  }
0xa9: {  	_ = 	snop  }
0xaa: {  	[tilespmem:s1], [sflag:$0x1] =	stream.indirect_vreg.gather [hbm4b:s4+s3], $0x80, v9, vm1, $0xb8;
	[tilespmem:$0x12300] =	vst v63  }
0xab: {  	v9 =	vld [tilespmem:$0x90];
	_ =	sdelay $0x4  }
0xac: {  	v10 =	vshrl.u32 v9, $0x3  }
0xad: {  	v10 =	vmul.u32 $0x18, v10  }
0xae: {  	v9 =	vand.u32 $0x7, v9  }
0xaf: {  	v9 =	vor.u32 v9, v10  }
0xb0: {  	v10 =	vperm.xlane v9, v0;
	_ =	sdelay $0x1  }
0xb1: {  	v10 =	vadd.s32 v1, v10;
	_ =	sdelay $0x1  }
0xb2: {  	v9 =	vperm.xlane v9, v8;
	_ =	sdelay $0x1  }
0xb3: {  	s9 =	simm.s32 $0xAA00;
	v9 =	vadd.s32 v1, v9  }
0xb4: {  	[tilespmem:s9], [sflag:$0x1] =	stream.indirect_vreg.gather [hbm4b:s2+s3], $0x80, v10, vm0, $0xb8;
	[tilespmem:$0x12300] =	vst v63  }
0xb5: {  	_ = 	snop  }
0xb6: {  	[tilespmem:s10], [sflag:$0x1] =	stream.indirect_vreg.gather [hbm4b:s4+s3], $0x80, v10, vm1, $0xb8;
	[tilespmem:$0x12300] =	vst v63  }
0xb7: {  	_ = 	snop  }
0xb8: {  	[tilespmem:s11], [sflag:$0x1] =	stream.indirect_vreg.gather [hbm4b:s2+s3], $0x80, v9, vm0, $0xb8;
	[tilespmem:$0x12300] =	vst v63  }
0xb9: {  	_ = 	snop  }
0xba: {  	[tilespmem:s12], [sflag:$0x1] =	stream.indirect_vreg.gather [hbm4b:s4+s3], $0x80, v9, vm1, $0xb8;
	[tilespmem:$0x12300] =	vst v63  }
0xbb: {  	v9 =	vld [tilespmem:$0xA0];
	_ =	sdelay $0x4  }
0xbc: {  	v10 =	vshrl.u32 v9, $0x3  }
0xbd: {  	v10 =	vmul.u32 $0x18, v10  }
0xbe: {  	v9 =	vand.u32 $0x7, v9  }
0xbf: {  	v9 =	vor.u32 v9, v10  }
0xc0: {  	v10 =	vperm.xlane v9, v0;
	_ =	sdelay $0x1  }
0xc1: {  	v10 =	vadd.s32 v1, v10;
	_ =	sdelay $0x1  }
0xc2: {  	v9 =	vperm.xlane v9, v8;
	_ =	sdelay $0x1  }
0xc3: {  	v9 =	vadd.s32 v1, v9  }
0xc4: {  	[tilespmem:s13], [sflag:$0x1] =	stream.indirect_vreg.gather [hbm4b:s2+s3], $0x80, v10, vm0, $0xb8;
	[tilespmem:$0x12300] =	vst v63  }
0xc5: {  	_ = 	snop  }
0xc6: {  	[tilespmem:s14], [sflag:$0x1] =	stream.indirect_vreg.gather [hbm4b:s4+s3], $0x80, v10, vm1, $0xb8;
	[tilespmem:$0x12300] =	vst v63  }
0xc7: {  	_ = 	snop  }
0xc8: {  	[tilespmem:s15], [sflag:$0x1] =	stream.indirect_vreg.gather [hbm4b:s2+s3], $0x80, v9, vm0, $0xb8;
	[tilespmem:$0x12300] =	vst v63  }
0xc9: {  	_ = 	snop  }
0xca: {  	[tilespmem:s16], [sflag:$0x1] =	stream.indirect_vreg.gather [hbm4b:s4+s3], $0x80, v9, vm1, $0xb8;
	[tilespmem:$0x12300] =	vst v63  }
0xcb: {  	v9 =	vld [tilespmem:$0xB0];
	_ =	sdelay $0x4  }
0xcc: {  	v10 =	vshrl.u32 v9, $0x3  }
0xcd: {  	v10 =	vmul.u32 $0x18, v10  }
0xce: {  	v9 =	vand.u32 $0x7, v9  }
0xcf: {  	v9 =	vor.u32 v9, v10  }
0xd0: {  	v10 =	vperm.xlane v9, v0;
	_ =	sdelay $0x1  }
0xd1: {  	v10 =	vadd.s32 v1, v10;
	_ =	sdelay $0x1  }
0xd2: {  	v9 =	vperm.xlane v9, v8;
	_ =	sdelay $0x1  }
0xd3: {  	v9 =	vadd.s32 v1, v9  }
0xd4: {  	[tilespmem:s17], [sflag:$0x1] =	stream.indirect_vreg.gather [hbm4b:s2+s3], $0x80, v10, vm0, $0xb8;
	[tilespmem:$0x12300] =	vst v63  }
0xd5: {  	_ = 	snop  }
0xd6: {  	[tilespmem:s18], [sflag:$0x1] =	stream.indirect_vreg.gather [hbm4b:s4+s3], $0x80, v10, vm1, $0xb8;
	[tilespmem:$0x12300] =	vst v63  }
0xd7: {  	_ = 	snop  }
0xd8: {  	[tilespmem:s19], [sflag:$0x1] =	stream.indirect_vreg.gather [hbm4b:s2+s3], $0x80, v9, vm0, $0xb8;
	[tilespmem:$0x12300] =	vst v63  }
0xd9: {  	_ = 	snop  }
0xda: {  	[tilespmem:s20], [sflag:$0x1] =	stream.indirect_vreg.gather [hbm4b:s4+s3], $0x80, v9, vm1, $0xb8;
	[tilespmem:$0x12300] =	vst v63  }
0xdb: {  	v9 =	vld [tilespmem:$0xC0];
	_ =	sdelay $0x4  }
0xdc: {  	v10 =	vshrl.u32 v9, $0x3  }
0xdd: {  	v10 =	vmul.u32 $0x18, v10  }
0xde: {  	v9 =	vand.u32 $0x7, v9  }
0xdf: {  	v9 =	vor.u32 v9, v10  }
0xe0: {  	v10 =	vperm.xlane v9, v0;
	_ =	sdelay $0x1  }
0xe1: {  	v10 =	vadd.s32 v1, v10;
	_ =	sdelay $0x1  }
0xe2: {  	v9 =	vperm.xlane v9, v8;
	_ =	sdelay $0x1  }
0xe3: {  	v9 =	vadd.s32 v1, v9  }
0xe4: {  	[tilespmem:s21], [sflag:$0x1] =	stream.indirect_vreg.gather [hbm4b:s2+s3], $0x80, v10, vm0, $0xb8;
	[tilespmem:$0x12300] =	vst v63  }
0xe5: {  	_ = 	snop  }
0xe6: {  	[tilespmem:s22], [sflag:$0x1] =	stream.indirect_vreg.gather [hbm4b:s4+s3], $0x80, v10, vm1, $0xb8;
	[tilespmem:$0x12300] =	vst v63  }
0xe7: {  	_ = 	snop  }
0xe8: {  	[tilespmem:s23], [sflag:$0x1] =	stream.indirect_vreg.gather [hbm4b:s2+s3], $0x80, v9, vm0, $0xb8;
	[tilespmem:$0x12300] =	vst v63  }
0xe9: {  	_ = 	snop  }
0xea: {  	[tilespmem:s24], [sflag:$0x1] =	stream.indirect_vreg.gather [hbm4b:s4+s3], $0x80, v9, vm1, $0xb8;
	[tilespmem:$0x12300] =	vst v63  }
0xeb: {  	v9 =	vld [tilespmem:$0xD0];
	_ =	sdelay $0x4  }
0xec: {  	v10 =	vshrl.u32 v9, $0x3  }
0xed: {  	v10 =	vmul.u32 $0x18, v10  }
0xee: {  	v9 =	vand.u32 $0x7, v9  }
0xef: {  	v9 =	vor.u32 v9, v10  }
0xf0: {  	v10 =	vperm.xlane v9, v0;
	_ =	sdelay $0x1  }
0xf1: {  	v10 =	vadd.s32 v1, v10;
	_ =	sdelay $0x1  }
0xf2: {  	v9 =	vperm.xlane v9, v8;
	_ =	sdelay $0x1  }
0xf3: {  	v9 =	vadd.s32 v1, v9  }
0xf4: {  	[tilespmem:s25], [sflag:$0x1] =	stream.indirect_vreg.gather [hbm4b:s2+s3], $0x80, v10, vm0, $0xb8;
	[tilespmem:$0x12300] =	vst v63  }
0xf5: {  	_ = 	snop  }
0xf6: {  	[tilespmem:s26], [sflag:$0x1] =	stream.indirect_vreg.gather [hbm4b:s4+s3], $0x80, v10, vm1, $0xb8;
	[tilespmem:$0x12300] =	vst v63  }
0xf7: {  	_ = 	snop  }
0xf8: {  	[tilespmem:s28], [sflag:$0x1] =	stream.indirect_vreg.gather [hbm4b:s2+s3], $0x80, v9, vm0, $0xb8;
	[tilespmem:$0x12300] =	vst v63  }
0xf9: {  	_ = 	snop  }
0xfa: {  	[tilespmem:s29], [sflag:$0x1] =	stream.indirect_vreg.gather [hbm4b:s4+s3], $0x80, v9, vm1, $0xb8;
	[tilespmem:$0x12300] =	vst v63  }
0xfb: {  	_ =	swait.ge [sflag:s30], $0x9000  }
0xfc: {  	[sflag:s30] =	ssyncset.done $0x0  }
0xfd: {  	[sflag:s30] =	ssyncadd.s32 $0xFFFF7000  }
0xfe: {  	v9 =	vld [tilespmem:$0x100];
	_ =	sdelay $0x4  }
0xff: {  	v10 =	vshll.u32 v9, $0x3  }
0x100: {  	v11 =	vld [tilespmem:$0x100];
	v9 =	vand.u32 $0x7F, v9;
	v10 =	vand.u32 $0xFFFFFC00, v10  }
0x101: {  	v9 =	vor.u32 v9, v10  }
0x102: {  	v9 =	vadd.s32 v2, v9;
	_ =	sdelay $0x2  }
0x103: {  	v10 =	vshll.u32 v11, $0x3  }
0x104: {  	v12 =	vld [tilespmem:$0x100];
	v11 =	vand.u32 $0x7F, v11;
	v10 =	vand.u32 $0xFFFFFC00, v10  }
0x105: {  	v10 =	vor.u32 v11, v10;
	v9 =	vld.idx.msk [tilespmem:v9+s7+$0x0], $0xffff  }
0x106: {  	v10 =	vadd.s32 v3, v10;
	_ =	sdelay $0x2  }
0x107: {  	v11 =	vshll.u32 v12, $0x3  }
0x108: {  	v57 =	vld [tilespmem:$0x100];
	v11 =	vand.u32 $0xFFFFFC00, v11;
	[tilespmem:$0x12200] =	vst v9;
	v9 =	vand.u32 $0x7F, v12  }
0x109: {  	v10 =	vld.idx.msk [tilespmem:v10+s7+$0x0], $0xffff;
	v9 =	vor.u32 v9, v11  }
0x10a: {  	v9 =	vadd.s32 v4, v9;
	_ =	sdelay $0x2  }
0x10b: {  	v11 =	vshll.u32 v57, $0x3  }
0x10c: {  	v58 =	vld [tilespmem:$0x100];
	v11 =	vand.u32 $0xFFFFFC00, v11;
	[tilespmem:$0x12210] =	vst v10;
	v10 =	vand.u32 $0x7F, v57  }
0x10d: {  	v9 =	vld.idx.msk [tilespmem:v9+s7+$0x0], $0xffff;
	v10 =	vor.u32 v10, v11  }
0x10e: {  	v10 =	vadd.s32 v5, v10;
	_ =	sdelay $0x2  }
0x10f: {  	v11 =	vshll.u32 v58, $0x3  }
0x110: {  	v59 =	vld [tilespmem:$0x100];
	v11 =	vand.u32 $0xFFFFFC00, v11;
	[tilespmem:$0x12220] =	vst v9;
	v9 =	vand.u32 $0x7F, v58  }
0x111: {  	v10 =	vld.idx.msk [tilespmem:v10+s7+$0x0], $0xffff;
	v9 =	vor.u32 v9, v11  }
0x112: {  	v9 =	vadd.s32 v6, v9;
	_ =	sdelay $0x2  }
0x113: {  	v11 =	vshll.u32 v59, $0x3  }
0x114: {  	v11 =	vand.u32 $0xFFFFFC00, v11;
	[tilespmem:$0x12230] =	vst v10;
	v10 =	vand.u32 $0x7F, v59  }
0x115: {  	v9 =	vld.idx.msk [tilespmem:v9+s7+$0x0], $0xffff;
	v10 =	vor.u32 v10, v11  }
0x116: {  	v10 =	vadd.s32 v7, v10;
	_ =	sdelay $0x3  }
0x117: {  	[tilespmem:$0x12240] =	vst v9  }
0x118: {  	v9 =	vld.idx.msk [tilespmem:v10+s7+$0x0], $0xffff;
	_ =	sdelay $0x4  }
0x119: {  	[tilespmem:$0x12250] =	vst v9  }
0x11a: {  	_ =	swait.ge [sflag:s30], $0x9000  }
0x11b: {  	[sflag:s30] =	ssyncset.done $0x0  }
0x11c: {  	[sflag:s30] =	ssyncadd.s32 $0xFFFF7000  }
0x11d: {  	v9 =	vld [tilespmem:$0x180];
	_ =	sdelay $0x4  }
0x11e: {  	v10 =	vshll.u32 v9, $0x3  }
0x11f: {  	v11 =	vld [tilespmem:$0x180];
	v9 =	vand.u32 $0x7F, v9;
	v10 =	vand.u32 $0xFFFFFC00, v10  }
0x120: {  	v9 =	vor.u32 v9, v10  }
0x121: {  	v9 =	vadd.s32 v2, v9;
	_ =	sdelay $0x2  }
0x122: {  	v10 =	vshll.u32 v11, $0x3  }
0x123: {  	v60 =	vld [tilespmem:$0x180];
	v11 =	vand.u32 $0x7F, v11;
	v10 =	vand.u32 $0xFFFFFC00, v10  }
0x124: {  	v10 =	vor.u32 v11, v10;
	v9 =	vld.idx.msk [tilespmem:v9+s8+$0x0], $0xffff  }
0x125: {  	v10 =	vadd.s32 v3, v10;
	_ =	sdelay $0x2  }
0x126: {  	v11 =	vshll.u32 v60, $0x3  }
0x127: {  	v61 =	vld [tilespmem:$0x180];
	v11 =	vand.u32 $0xFFFFFC00, v11;
	[tilespmem:$0x12280] =	vst v9;
	v9 =	vand.u32 $0x7F, v60  }
0x128: {  	v10 =	vld.idx.msk [tilespmem:v10+s8+$0x0], $0xffff;
	v9 =	vor.u32 v9, v11  }
0x129: {  	v9 =	vadd.s32 v4, v9;
	_ =	sdelay $0x2  }
0x12a: {  	v11 =	vshll.u32 v61, $0x3  }
0x12b: {  	v62 =	vld [tilespmem:$0x180];
	v11 =	vand.u32 $0xFFFFFC00, v11;
	[tilespmem:$0x12290] =	vst v10;
	v10 =	vand.u32 $0x7F, v61  }
0x12c: {  	v9 =	vld.idx.msk [tilespmem:v9+s8+$0x0], $0xffff;
	v10 =	vor.u32 v10, v11  }
0x12d: {  	v10 =	vadd.s32 v5, v10;
	_ =	sdelay $0x2  }
0x12e: {  	v11 =	vshll.u32 v62, $0x3  }
0x12f: {  	v63 =	vld [tilespmem:$0x180];
	v11 =	vand.u32 $0xFFFFFC00, v11;
	[tilespmem:$0x122A0] =	vst v9;
	v9 =	vand.u32 $0x7F, v62  }
0x130: {  	v10 =	vld.idx.msk [tilespmem:v10+s8+$0x0], $0xffff;
	v9 =	vor.u32 v9, v11  }
0x131: {  	v9 =	vadd.s32 v6, v9;
	_ =	sdelay $0x2  }
0x132: {  	v11 =	vshll.u32 v63, $0x3  }
0x133: {  	v11 =	vand.u32 $0xFFFFFC00, v11;
	[tilespmem:$0x122B0] =	vst v10;
	v10 =	vand.u32 $0x7F, v63  }
0x134: {  	v10 =	vor.u32 v10, v11;
	v9 =	vld.idx.msk [tilespmem:v9+s8+$0x0], $0xffff  }
0x135: {  	v10 =	vadd.s32 v7, v10;
	_ =	sdelay $0x3  }
0x136: {  	[tilespmem:$0x122C0] =	vst v9  }
0x137: {  	v9 =	vld.idx.msk [tilespmem:v10+s8+$0x0], $0xffff;
	_ =	sdelay $0x4  }
0x138: {  	s9 =	rddreg [dreg:$0x7];
	[tilespmem:$0x122D0] =	vst v9  }
0x139: {  	[hbm4b:s9+s3] =	stream.linear.scatter [tilespmem:s31], [sflag:$0x2], $0x80, $0x38;
	[tilespmem:$0x12300] =	vst v63  }
0x13a: {  	_ =	swait.ge [sflag:s6], $0x80  }
0x13b: {  	p0 =	sne.s32 s5, $0x1;
	[sflag:s6] =	ssyncset.done $0x0  }
.Ltmp0:
0x13c: {  	s9 =	rddreg [dreg:$0x8];
	[sflag:s6] =	ssyncadd.s32 $0xFFFFFF80;
	(pc) =	sbr.rel @p0 .LBB2_1-.Ltmp0, $4  }
0x13d: {  	[hbm4b:s9+s3] =	stream.linear.scatter [tilespmem:s0], [sflag:$0x2], $0x80, $0x38;
	[tilespmem:$0x12300] =	vst v63  }
0x13e: {  	_ =	swait.ge [sflag:s6], $0x80  }
0x13f: {  	[sflag:s6] =	ssyncset.done $0x0  }
0x140: {  	s5 =	sadd.s32 $0xFFFFFFFF, s5;
	[sflag:s6] =	ssyncadd.s32 $0xFFFFFF80  }
0x141: {  	_ =	sfence.sel $0x180000  }
0x142: {  	[bflag:$0x0] =	sbarrier.arrive $0xFFFF  }
0x143: {  	_ =	strace $0x90000047  }
0x144: {  	s0 =	stileid.u32;
	[bflag:$0x2] =	sbarrier.arrive $0xFFFF  }
0x145: {  	p0 =	sne.s32 s0, $0x0;
	s0 =	rddreg [dreg:$0x2]  }
0x146: {  	s0 =	sadd.s32 @!p0 $0x100000, s0  }
0x147: {  	[sflag:s0] =	ssyncadd.tile.s32 @!p0 $0x1;
	_ =	shalt  }
.Lfunc_end2:
_tile_overlayer_lowered:
.L_overlay_start_2:
0x148: {  	(tag) =	ssettag $0x2  }
0x149: {  	s0 =	rddreg [dreg:$0x0];
	s2 =	stileid.u32  }
0x14a: {  	s1 =	rddreg [dreg:$0x1];
	p0 =	sne.s32 s2, $0x0  }
0x14b: {  	s3 =	rddreg [dreg:$0x2];
	[bflag:$0x3] =	sbarrier.arrive $0xFFFF;
	s2 =	simm.s32 @!p0 $0x1C02  }
0x14c: {  	[timem:s3], [sflag:s2] =	dma.local @!p0 [hbm:s0], s1  }
0x14d: {  	s0 =	simm.s32 @!p0 $0x2  }
0x14e: {  	_ =	swait.ge @!p0 [sflag:s0], s1  }
0x14f: {  	s1 =	ssub.s32 @!p0 $0x0, s1;
	[sflag:s0] =	ssyncset.done @!p0 $0x0  }
0x150: {  	[sflag:s0] =	ssyncadd.s32 @!p0 s1  }
0x151: {  	[bflag:$0x3] =	sbarrier.arrive $0xFFFF  }
0x152: {  	_ =	shalt  }

</sc_bundles>
